<compile_context>
chip_gen: v7x
topology: tpu7x:2x2x1
jax: 0.10.2.dev20260603
libtpu: 0.0.44.dev20260713+nightly
codegen_flags: <defaults>
</compile_context>

<pallas_src>
import functools

import jax
import jax.numpy as jnp
from jax import lax
from jax.experimental import pallas as pl
from jax.experimental.pallas import tpu as pltpu
from jax.experimental.pallas import tpu_sc as plsc

N = 10000
E = 320000
IN_DIM = 128
HID_DIM = 128
OUT_DIM = 64

NC = 2
NS = 16
NW = NC * NS
CH = 128
NFULL = 80
NPAIR = NFULL // 2
NHALF = NFULL // 2
NPAIR_H = NHALF // 2
E_PAD = NW * NFULL * CH
N_PAD = 10240
RSTRIPE = N_PAD // NS
DEG_MINOR = 4

ROWS_BLK = 400


def _sc_mesh():
    return plsc.VectorSubcoreMesh(core_axis_name="c", subcore_axis_name="s")



def _make_deg_kernel():
    @functools.partial(
        pl.kernel,
        out_type=jax.ShapeDtypeStruct((NC, N_PAD, DEG_MINOR), jnp.float32),
        mesh=_sc_mesh(),
        compiler_params=pltpu.CompilerParams(use_tc_tiling_on_sc=False),
        scratch_types=[
            pltpu.VMEM_SHARED((N_PAD, DEG_MINOR), jnp.float32),
            pltpu.VMEM((CH,), jnp.int32),
            pltpu.VMEM((CH, DEG_MINOR), jnp.float32),
            pltpu.SemaphoreType.DMA,
            pltpu.SemaphoreType.DMA,
        ],
    )
    def deg_kernel(dst1_hbm, z_hbm, ones_hbm, out_hbm, acc, dbuf, ones_v,
                   ssem0, ssem1):
        c = lax.axis_index("c")
        s = lax.axis_index("s")
        wid = c * NS + s
        pltpu.sync_copy(z_hbm.at[pl.ds(s * RSTRIPE, RSTRIPE), :],
                        acc.at[pl.ds(s * RSTRIPE, RSTRIPE), :])
        pltpu.sync_copy(ones_hbm, ones_v)
        plsc.subcore_barrier()
        base = wid * (NFULL * CH)

        def body(j, carry):
            pltpu.sync_copy(dst1_hbm.at[pl.ds(base + j * CH, CH)], dbuf)
            pltpu.async_copy(ones_v, acc.at[dbuf], ssem0,
                             add=True).wait()
            return carry

        lax.fori_loop(0, NFULL, body, 0)
        plsc.subcore_barrier()
        pltpu.sync_copy(acc.at[pl.ds(s * RSTRIPE, RSTRIPE), :],
                        out_hbm.at[c, pl.ds(s * RSTRIPE, RSTRIPE), :])

    return deg_kernel


def _make_scatter_kernel(d):
    @functools.partial(
        pl.kernel,
        out_type=jax.ShapeDtypeStruct((NC, N_PAD, d), jnp.float32),
        mesh=_sc_mesh(),
        compiler_params=pltpu.CompilerParams(use_tc_tiling_on_sc=False),
        scratch_types=[
            pltpu.VMEM_SHARED((N_PAD, d), jnp.float32),
            pltpu.VMEM((CH,), jnp.int32),
            pltpu.VMEM((CH,), jnp.int32),
            pltpu.VMEM((CH, d), jnp.float32),
            pltpu.VMEM((CH, d), jnp.float32),
            pltpu.SemaphoreType.DMA,
            pltpu.SemaphoreType.DMA,
            pltpu.SemaphoreType.DMA,
            pltpu.SemaphoreType.DMA,
        ],
    )
    def scatter_kernel(g_hbm, src1_hbm, dst1_hbm, z_hbm, out_hbm,
                       acc, sbuf, dbuf, rows0, rows1,
                       gsem0, gsem1, ssem0, ssem1):
        c = lax.axis_index("c")
        s = lax.axis_index("s")
        wid = c * NS + s
        pltpu.sync_copy(z_hbm.at[pl.ds(s * RSTRIPE, RSTRIPE), :],
                        acc.at[pl.ds(s * RSTRIPE, RSTRIPE), :])
        plsc.subcore_barrier()

        base = wid * (NFULL * CH)

        def body(j, carry):
            off = base + j * CH
            pltpu.sync_copy(src1_hbm.at[pl.ds(off, CH)], sbuf)
            pltpu.sync_copy(dst1_hbm.at[pl.ds(off, CH)], dbuf)
            pltpu.async_copy(g_hbm.at[sbuf], rows0, gsem0).wait()
            pltpu.async_copy(rows0, acc.at[dbuf], ssem0,
                             add=True).wait()
            return carry

        lax.fori_loop(0, NFULL, body, 0)
        plsc.subcore_barrier()
        pltpu.sync_copy(acc.at[pl.ds(s * RSTRIPE, RSTRIPE), :],
                        out_hbm.at[c, pl.ds(s * RSTRIPE, RSTRIPE), :])

    return scatter_kernel


_deg_call = _make_deg_kernel()
_scatter_hid = _make_scatter_kernel(HID_DIM)
_scatter_out = _make_scatter_kernel(OUT_DIM)



def _mm_scale_body(deg_ref, x_ref, w_ref, dinv_ref, g_ref):
    dsum = jnp.sum(deg_ref[...], axis=0)
    deg = dsum[:, 0:1] + 1.0
    dinv = lax.rsqrt(deg)
    dinv_ref[...] = dinv
    m = jnp.dot(x_ref[...], w_ref[...], preferred_element_type=jnp.float32)
    g_ref[...] = m * dinv


def _mm_scale(degp, x, W1):
    grid = N // ROWS_BLK
    return pl.pallas_call(
        _mm_scale_body,
        grid=(grid,),
        in_specs=[
            pl.BlockSpec((NC, ROWS_BLK, DEG_MINOR), lambda i: (0, i, 0)),
            pl.BlockSpec((ROWS_BLK, IN_DIM), lambda i: (i, 0)),
            pl.BlockSpec((IN_DIM, HID_DIM), lambda i: (0, 0)),
        ],
        out_specs=[
            pl.BlockSpec((ROWS_BLK, 1), lambda i: (i, 0)),
            pl.BlockSpec((ROWS_BLK, HID_DIM), lambda i: (i, 0)),
        ],
        out_shape=[
            jax.ShapeDtypeStruct((N, 1), jnp.float32),
            jax.ShapeDtypeStruct((N_PAD, HID_DIM), jnp.float32),
        ],
    )(degp, x, W1)


def _combine_mm_body(p_ref, g_ref, dinv_ref, b_ref, w_ref, o_ref):
    dinv = dinv_ref[...]
    s = p_ref[0] + p_ref[1] + g_ref[...]
    h = jnp.maximum(dinv * s + b_ref[...], 0.0)
    m2 = jnp.dot(h, w_ref[...], preferred_element_type=jnp.float32)
    o_ref[...] = m2 * dinv


def _combine_mm(p1, g1, dinv, b1, W2):
    grid = N // ROWS_BLK
    return pl.pallas_call(
        _combine_mm_body,
        grid=(grid,),
        in_specs=[
            pl.BlockSpec((NC, ROWS_BLK, HID_DIM), lambda i: (0, i, 0)),
            pl.BlockSpec((ROWS_BLK, HID_DIM), lambda i: (i, 0)),
            pl.BlockSpec((ROWS_BLK, 1), lambda i: (i, 0)),
            pl.BlockSpec((1, HID_DIM), lambda i: (0, 0)),
            pl.BlockSpec((HID_DIM, OUT_DIM), lambda i: (0, 0)),
        ],
        out_specs=pl.BlockSpec((ROWS_BLK, OUT_DIM), lambda i: (i, 0)),
        out_shape=jax.ShapeDtypeStruct((N_PAD, OUT_DIM), jnp.float32),
    )(p1, g1, dinv, b1, W2)


def _final_body(p_ref, g_ref, dinv_ref, b_ref, o_ref):
    z = dinv_ref[...] * (p_ref[0] + p_ref[1] + g_ref[...]) + b_ref[...]
    zmax = jnp.max(z, axis=1, keepdims=True)
    lse = jnp.log(jnp.sum(jnp.exp(z - zmax), axis=1, keepdims=True))
    o_ref[...] = z - zmax - lse


def _final(p2, g2, dinv, b2):
    grid = N // ROWS_BLK
    return pl.pallas_call(
        _final_body,
        grid=(grid,),
        in_specs=[
            pl.BlockSpec((NC, ROWS_BLK, OUT_DIM), lambda i: (0, i, 0)),
            pl.BlockSpec((ROWS_BLK, OUT_DIM), lambda i: (i, 0)),
            pl.BlockSpec((ROWS_BLK, 1), lambda i: (i, 0)),
            pl.BlockSpec((1, OUT_DIM), lambda i: (0, 0)),
        ],
        out_specs=pl.BlockSpec((ROWS_BLK, OUT_DIM), lambda i: (i, 0)),
        out_shape=jax.ShapeDtypeStruct((N, OUT_DIM), jnp.float32),
    )(p2, g2, dinv, b2)



def kernel(x, edge_index, W1, b1, W2, b2):
    ei = edge_index.astype(jnp.int32)
    pad_ids = N + jnp.arange(E_PAD - E, dtype=jnp.int32) % (N_PAD - N)
    pad = jnp.stack([pad_ids, pad_ids])
    ei_p = jnp.concatenate([ei, pad], axis=1)
    src1 = ei_p[0]
    dst1 = ei_p[1]
    z8 = jnp.zeros((N_PAD, DEG_MINOR), jnp.float32)
    z128 = jnp.zeros((N_PAD, HID_DIM), jnp.float32)
    z64 = jnp.zeros((N_PAD, OUT_DIM), jnp.float32)
    ones8 = jnp.ones((CH, DEG_MINOR), jnp.float32)
    b1r = b1.reshape(1, HID_DIM)
    b2r = b2.reshape(1, OUT_DIM)

    degp = _deg_call(dst1, z8, ones8)
    dinv, g1 = _mm_scale(degp, x, W1)
    p1 = _scatter_hid(g1, src1, dst1, z128)
    g2 = _combine_mm(p1, g1, dinv, b1r, W2)
    p2 = _scatter_out(g2, src1, dst1, z64)
    return _final(p2, g2, dinv, b2r)

# --- scband reference (transcript-rebuilt; emitter-appended) ---
"""Pipeline reference for scband-gcn-57621281243368 (READ-ONLY COPY).

The authoritative reference and input builder live on the scoring server;
editing this copy changes nothing except your own understanding.
"""

import jax, jax.numpy as jnp
import numpy as np

N_NODES = 10000
N_EDGES = 320000
IN_DIM = 128
HID_DIM = 128
OUT_DIM = 64


def gcn_conv(x, src, dst, W, b, num_nodes):
    # x: [N, d_in], W: [d_in, d_out], b: [d_out]
    h = x @ W
    # add self loops
    loop = jnp.arange(num_nodes, dtype=src.dtype)
    src_a = jnp.concatenate([src, loop])
    dst_a = jnp.concatenate([dst, loop])
    # symmetric normalization D^{-1/2} (A+I) D^{-1/2}
    deg = jnp.zeros((num_nodes,), dtype=h.dtype).at[dst_a].add(1.0)
    dinv = jnp.where(deg > 0, jax.lax.rsqrt(deg), 0.0)
    norm = dinv[src_a] * dinv[dst_a]
    msg = h[src_a] * norm[:, None]
    out = jnp.zeros((num_nodes, h.shape[1]), dtype=h.dtype).at[dst_a].add(msg)
    return out + b


def setup_inputs(seed: int = 0) -> dict:
    key = jax.random.key(seed)
    k1, k2, k3, k4 = jax.random.split(key, 4)
    x = jax.random.normal(k1, (N_NODES, IN_DIM), dtype=jnp.float32)
    edge_index = jax.random.randint(k2, (2, N_EDGES), 0, N_NODES, dtype=jnp.int64)
    # Glorot init like PyG GCNConv
    s1 = (6.0 / (IN_DIM + HID_DIM)) ** 0.5
    W1 = jax.random.uniform(k3, (IN_DIM, HID_DIM), minval=-s1, maxval=s1, dtype=jnp.float32)
    b1 = jnp.zeros((HID_DIM,), dtype=jnp.float32)
    s2 = (6.0 / (HID_DIM + OUT_DIM)) ** 0.5
    W2 = jax.random.uniform(k4, (HID_DIM, OUT_DIM), minval=-s2, maxval=s2, dtype=jnp.float32)
    b2 = jnp.zeros((OUT_DIM,), dtype=jnp.float32)
    return {"x": x, "edge_index": edge_index, "W1": W1, "b1": b1, "W2": W2, "b2": b2}


def reference(x, edge_index, W1, b1, W2, b2):
    src = edge_index[0]
    dst = edge_index[1]
    h = gcn_conv(x, src, dst, W1, b1, N_NODES)
    h = jax.nn.relu(h)
    # dropout is identity in eval mode (training=False)
    h = gcn_conv(h, src, dst, W2, b2, N_NODES)
    return jax.nn.log_softmax(h, axis=1)

if __name__ == "__main__":
    import jax
    _d = setup_inputs()
    print(jax.jit(kernel)(*tuple(_d.values())))

</pallas_src>

<mosaic_0001>
#map = affine_map<(d0, d1) -> (0, 0)>
#map1 = affine_map<(d0, d1) -> (0)>
#map2 = affine_map<(d0, d1) -> (0, 0, 0)>
module attributes {stable_mosaic.version = 14 : i64} {
  func.func @scatter_kernel(%arg0: i32, %arg1: i32, %arg2: memref<10240x64xf32, #tpu.memory_space<hbm>>, %arg3: memref<327680xi32, #tpu.memory_space<hbm>>, %arg4: memref<327680xi32, #tpu.memory_space<hbm>>, %arg5: memref<10240x64xf32, #tpu.memory_space<hbm>>, %arg6: memref<2x10240x64xf32, #tpu.memory_space<hbm>>, %arg7: memref<10240x64xf32, #tpu.memory_space<vmem_shared>>, %arg8: memref<128xi32, #tpu.memory_space<vmem>>, %arg9: memref<128xi32, #tpu.memory_space<vmem>>, %arg10: memref<128x64xf32, #tpu.memory_space<vmem>>, %arg11: memref<128x64xf32, #tpu.memory_space<vmem>>, %arg12: memref<!tpu.dma_semaphore, #tpu.memory_space<semaphore_mem>>, %arg13: memref<!tpu.dma_semaphore, #tpu.memory_space<semaphore_mem>>, %arg14: memref<!tpu.dma_semaphore, #tpu.memory_space<semaphore_mem>>, %arg15: memref<!tpu.dma_semaphore, #tpu.memory_space<semaphore_mem>>) attributes {dimension_semantics = [#tpu.dimension_semantics<core_parallel>, #tpu.dimension_semantics<subcore_parallel>], iteration_bounds = array<i64: 2, 16>, scalar_prefetch = 0 : i64, scratch_operands = 9 : i64, tpu.core_type = #tpu.core_type<sc_vector_subcore>, window_params = [{transform_indices = #map}, {transform_indices = #map1}, {transform_indices = #map1}, {transform_indices = #map}, {transform_indices = #map2}]} {
    %mul3A = arith.constant 16 : i32
    %mul3A_0 = arith.muli %arg0, %mul3A : i32
    %add3A = arith.addi %mul3A_0, %arg1 : i32
    %mul3A_1 = arith.constant 640 : i32
    %mul3A_2 = arith.muli %arg1, %mul3A_1 : i32
    %mul3A_3 = arith.constant 640 : i32
    %mul3A_4 = arith.muli %arg1, %mul3A_3 : i32
    "tpu.region"() ({
      %run_scoped3A = tpu.sem_alloc : memref<!tpu.dma_semaphore, #tpu.memory_space<semaphore_mem>>
      %dma_start3A = arith.constant 0 : i32
      %dma_start3A_17 = tpu.memref_slice %arg7[%mul3A_4, %dma_start3A] : memref<10240x64xf32, #tpu.memory_space<vmem_shared>> -> memref<640x64xf32, #tpu.memory_space<vmem_shared>>
      %dma_start3A_18 = arith.constant 0 : i32
      %dma_start3A_19 = tpu.memref_slice %arg5[%mul3A_2, %dma_start3A_18] : memref<10240x64xf32, #tpu.memory_space<hbm>> -> memref<640x64xf32, #tpu.memory_space<hbm>>
      tpu.enqueue_dma source(%dma_start3A_19 : memref<640x64xf32, #tpu.memory_space<hbm>>) target(%dma_start3A_17 : memref<640x64xf32, #tpu.memory_space<vmem_shared>>) target_semaphore(%run_scoped3A : memref<!tpu.dma_semaphore, #tpu.memory_space<semaphore_mem>>)
      %dma_wait3A = arith.constant 0 : i32
      %dma_wait3A_20 = tpu.memref_slice %arg7[%mul3A_4, %dma_wait3A] : memref<10240x64xf32, #tpu.memory_space<vmem_shared>> -> memref<640x64xf32, #tpu.memory_space<vmem_shared>>
      %dma_wait3A_21 = arith.constant 0 : i32
      %dma_wait3A_22 = tpu.memref_slice %arg5[%mul3A_2, %dma_wait3A_21] : memref<10240x64xf32, #tpu.memory_space<hbm>> -> memref<640x64xf32, #tpu.memory_space<hbm>>
      tpu.wait_dma2 semaphore(%run_scoped3A : memref<!tpu.dma_semaphore, #tpu.memory_space<semaphore_mem>>) src(%dma_wait3A_22 : memref<640x64xf32, #tpu.memory_space<hbm>>) dst(%dma_wait3A_20 : memref<640x64xf32, #tpu.memory_space<vmem_shared>>)
      tpu.yield
    }) : () -> ()
    %barrier3A = arith.constant 0 : index
    tpu.barrier barrier_id(%barrier3A)
    %mul3A_5 = arith.constant 10240 : i32
    %mul3A_6 = arith.muli %add3A, %mul3A_5 : i32
    %scan3A = arith.constant 0 : i32
    %scan3A_7 = arith.constant 0 : i32
    %scan3A_8 = arith.constant 80 : i32
    %scan3A_9 = arith.addi %scan3A_7, %scan3A_8 : i32
    %scan3A_10 = arith.constant 1 : i32
    scf.for %scan3A_17 = %scan3A_7 to %scan3A_9 step %scan3A_10  : i32 {
      %mul3A_18 = arith.constant 128 : i32
      %mul3A_19 = arith.muli %scan3A_17, %mul3A_18 : i32
      %add3A_20 = arith.addi %mul3A_6, %mul3A_19 : i32
      "tpu.region"() ({
        %run_scoped3A = tpu.sem_alloc : memref<!tpu.dma_semaphore, #tpu.memory_space<semaphore_mem>>
        %dma_start3A_31 = tpu.memref_slice %arg3[%add3A_20] : memref<327680xi32, #tpu.memory_space<hbm>> -> memref<128xi32, #tpu.memory_space<hbm>>
        %dma_start3A_32 = tpu.memref_slice %arg3[%add3A_20] : memref<327680xi32, #tpu.memory_space<hbm>> -> memref<128xi32, #tpu.memory_space<hbm>>
        tpu.enqueue_dma source(%dma_start3A_32 : memref<128xi32, #tpu.memory_space<hbm>>) target(%arg8 : memref<128xi32, #tpu.memory_space<vmem>>) target_semaphore(%run_scoped3A : memref<!tpu.dma_semaphore, #tpu.memory_space<semaphore_mem>>)
        %dma_wait3A_33 = tpu.memref_slice %arg3[%add3A_20] : memref<327680xi32, #tpu.memory_space<hbm>> -> memref<128xi32, #tpu.memory_space<hbm>>
        %dma_wait3A_34 = tpu.memref_slice %arg3[%add3A_20] : memref<327680xi32, #tpu.memory_space<hbm>> -> memref<128xi32, #tpu.memory_space<hbm>>
        tpu.wait_dma2 semaphore(%run_scoped3A : memref<!tpu.dma_semaphore, #tpu.memory_space<semaphore_mem>>) src(%dma_wait3A_34 : memref<128xi32, #tpu.memory_space<hbm>>) dst(%arg8 : memref<128xi32, #tpu.memory_space<vmem>>)
        tpu.yield
      }) : () -> ()
      "tpu.region"() ({
        %run_scoped3A = tpu.sem_alloc : memref<!tpu.dma_semaphore, #tpu.memory_space<semaphore_mem>>
        %dma_start3A_31 = tpu.memref_slice %arg4[%add3A_20] : memref<327680xi32, #tpu.memory_space<hbm>> -> memref<128xi32, #tpu.memory_space<hbm>>
        %dma_start3A_32 = tpu.memref_slice %arg4[%add3A_20] : memref<327680xi32, #tpu.memory_space<hbm>> -> memref<128xi32, #tpu.memory_space<hbm>>
        tpu.enqueue_dma source(%dma_start3A_32 : memref<128xi32, #tpu.memory_space<hbm>>) target(%arg9 : memref<128xi32, #tpu.memory_space<vmem>>) target_semaphore(%run_scoped3A : memref<!tpu.dma_semaphore, #tpu.memory_space<semaphore_mem>>)
        %dma_wait3A_33 = tpu.memref_slice %arg4[%add3A_20] : memref<327680xi32, #tpu.memory_space<hbm>> -> memref<128xi32, #tpu.memory_space<hbm>>
        %dma_wait3A_34 = tpu.memref_slice %arg4[%add3A_20] : memref<327680xi32, #tpu.memory_space<hbm>> -> memref<128xi32, #tpu.memory_space<hbm>>
        tpu.wait_dma2 semaphore(%run_scoped3A : memref<!tpu.dma_semaphore, #tpu.memory_space<semaphore_mem>>) src(%dma_wait3A_34 : memref<128xi32, #tpu.memory_space<hbm>>) dst(%arg9 : memref<128xi32, #tpu.memory_space<vmem>>)
        tpu.yield
      }) : () -> ()
      %dma_start3A = arith.constant 0 : i32
      %dma_start3A_21 = arith.constant 0 : i32
      %dma_start3A_22 = tpu.memref_slice %arg2[%dma_start3A, %dma_start3A_21] : memref<10240x64xf32, #tpu.memory_space<hbm>> -> memref<10240x64xf32, #tpu.memory_space<hbm>>
      tpu.enqueue_indirect_dma source(%dma_start3A_22 : memref<10240x64xf32, #tpu.memory_space<hbm>>) target(%arg10 : memref<128x64xf32, #tpu.memory_space<vmem>>) offsets(%arg8 : memref<128xi32, #tpu.memory_space<vmem>>) semaphore(%arg12 : memref<!tpu.dma_semaphore, #tpu.memory_space<semaphore_mem>>)
      %dma_wait3A = arith.constant 0 : i32
      %dma_wait3A_23 = arith.constant 0 : i32
      %dma_wait3A_24 = tpu.memref_slice %arg2[%dma_wait3A, %dma_wait3A_23] : memref<10240x64xf32, #tpu.memory_space<hbm>> -> memref<10240x64xf32, #tpu.memory_space<hbm>>
      tpu.wait_indirect_dma semaphore(%arg12 : memref<!tpu.dma_semaphore, #tpu.memory_space<semaphore_mem>>) src(%dma_wait3A_24 : memref<10240x64xf32, #tpu.memory_space<hbm>>) dst(%arg10 : memref<128x64xf32, #tpu.memory_space<vmem>>)
      %dma_start3A_25 = arith.constant 0 : i32
      %dma_start3A_26 = arith.constant 0 : i32
      %dma_start3A_27 = tpu.memref_slice %arg7[%dma_start3A_25, %dma_start3A_26] : memref<10240x64xf32, #tpu.memory_space<vmem_shared>> -> memref<10240x64xf32, #tpu.memory_space<vmem_shared>>
      tpu.enqueue_indirect_dma source(%arg10 : memref<128x64xf32, #tpu.memory_space<vmem>>) target(%dma_start3A_27 : memref<10240x64xf32, #tpu.memory_space<vmem_shared>>) offsets(%arg9 : memref<128xi32, #tpu.memory_space<vmem>>) semaphore(%arg14 : memref<!tpu.dma_semaphore, #tpu.memory_space<semaphore_mem>>) {add = true}
      %dma_wait3A_28 = arith.constant 0 : i32
      %dma_wait3A_29 = arith.constant 0 : i32
      %dma_wait3A_30 = tpu.memref_slice %arg7[%dma_wait3A_28, %dma_wait3A_29] : memref<10240x64xf32, #tpu.memory_space<vmem_shared>> -> memref<10240x64xf32, #tpu.memory_space<vmem_shared>>
      tpu.wait_indirect_dma semaphore(%arg14 : memref<!tpu.dma_semaphore, #tpu.memory_space<semaphore_mem>>) src(%arg10 : memref<128x64xf32, #tpu.memory_space<vmem>>) dst(%dma_wait3A_30 : memref<10240x64xf32, #tpu.memory_space<vmem_shared>>)
    }
    %scan3A_11 = arith.constant 80 : i32
    %barrier3A_12 = arith.constant 0 : index
    tpu.barrier barrier_id(%barrier3A_12)
    %mul3A_13 = arith.constant 640 : i32
    %mul3A_14 = arith.muli %arg1, %mul3A_13 : i32
    %mul3A_15 = arith.constant 640 : i32
    %mul3A_16 = arith.muli %arg1, %mul3A_15 : i32
    "tpu.region"() ({
      %run_scoped3A = tpu.sem_alloc : memref<!tpu.dma_semaphore, #tpu.memory_space<semaphore_mem>>
      %dma_start3A = arith.constant 0 : i32
      %dma_start3A_17 = tpu.memref_slice %arg6[%arg0, %mul3A_16, %dma_start3A] : memref<2x10240x64xf32, #tpu.memory_space<hbm>> -> memref<1x640x64xf32, #tpu.memory_space<hbm>>
      %dma_start3A_18 = tpu.memref_squeeze %dma_start3A_17 : memref<1x640x64xf32, #tpu.memory_space<hbm>> -> memref<640x64xf32, #tpu.memory_space<hbm>>
      %dma_start3A_19 = arith.constant 0 : i32
      %dma_start3A_20 = tpu.memref_slice %arg7[%mul3A_14, %dma_start3A_19] : memref<10240x64xf32, #tpu.memory_space<vmem_shared>> -> memref<640x64xf32, #tpu.memory_space<vmem_shared>>
      tpu.enqueue_dma source(%dma_start3A_20 : memref<640x64xf32, #tpu.memory_space<vmem_shared>>) target(%dma_start3A_18 : memref<640x64xf32, #tpu.memory_space<hbm>>) target_semaphore(%run_scoped3A : memref<!tpu.dma_semaphore, #tpu.memory_space<semaphore_mem>>)
      %dma_wait3A = arith.constant 0 : i32
      %dma_wait3A_21 = tpu.memref_slice %arg6[%arg0, %mul3A_16, %dma_wait3A] : memref<2x10240x64xf32, #tpu.memory_space<hbm>> -> memref<1x640x64xf32, #tpu.memory_space<hbm>>
      %dma_wait3A_22 = tpu.memref_squeeze %dma_wait3A_21 : memref<1x640x64xf32, #tpu.memory_space<hbm>> -> memref<640x64xf32, #tpu.memory_space<hbm>>
      %dma_wait3A_23 = arith.constant 0 : i32
      %dma_wait3A_24 = tpu.memref_slice %arg7[%mul3A_14, %dma_wait3A_23] : memref<10240x64xf32, #tpu.memory_space<vmem_shared>> -> memref<640x64xf32, #tpu.memory_space<vmem_shared>>
      tpu.wait_dma2 semaphore(%run_scoped3A : memref<!tpu.dma_semaphore, #tpu.memory_space<semaphore_mem>>) src(%dma_wait3A_24 : memref<640x64xf32, #tpu.memory_space<vmem_shared>>) dst(%dma_wait3A_22 : memref<640x64xf32, #tpu.memory_space<hbm>>)
      tpu.yield
    }) : () -> ()
    return
  }
}

#map = affine_map<(d0, d1) -> (0, 0)>
#map1 = affine_map<(d0, d1) -> (0)>
#map2 = affine_map<(d0, d1) -> (0, 0, 0)>
module attributes {stable_mosaic.version = 14 : i64} {
  func.func @scatter_kernel(%arg0: i32, %arg1: i32, %arg2: memref<10240x128xf32, #tpu.memory_space<hbm>>, %arg3: memref<327680xi32, #tpu.memory_space<hbm>>, %arg4: memref<327680xi32, #tpu.memory_space<hbm>>, %arg5: memref<10240x128xf32, #tpu.memory_space<hbm>>, %arg6: memref<2x10240x128xf32, #tpu.memory_space<hbm>>, %arg7: memref<10240x128xf32, #tpu.memory_space<vmem_shared>>, %arg8: memref<128xi32, #tpu.memory_space<vmem>>, %arg9: memref<128xi32, #tpu.memory_space<vmem>>, %arg10: memref<128x128xf32, #tpu.memory_space<vmem>>, %arg11: memref<128x128xf32, #tpu.memory_space<vmem>>, %arg12: memref<!tpu.dma_semaphore, #tpu.memory_space<semaphore_mem>>, %arg13: memref<!tpu.dma_semaphore, #tpu.memory_space<semaphore_mem>>, %arg14: memref<!tpu.dma_semaphore, #tpu.memory_space<semaphore_mem>>, %arg15: memref<!tpu.dma_semaphore, #tpu.memory_space<semaphore_mem>>) attributes {dimension_semantics = [#tpu.dimension_semantics<core_parallel>, #tpu.dimension_semantics<subcore_parallel>], iteration_bounds = array<i64: 2, 16>, scalar_prefetch = 0 : i64, scratch_operands = 9 : i64, tpu.core_type = #tpu.core_type<sc_vector_subcore>, window_params = [{transform_indices = #map}, {transform_indices = #map1}, {transform_indices = #map1}, {transform_indices = #map}, {transform_indices = #map2}]} {
    %mul3A = arith.constant 16 : i32
    %mul3A_0 = arith.muli %arg0, %mul3A : i32
    %add3A = arith.addi %mul3A_0, %arg1 : i32
    %mul3A_1 = arith.constant 640 : i32
    %mul3A_2 = arith.muli %arg1, %mul3A_1 : i32
    %mul3A_3 = arith.constant 640 : i32
    %mul3A_4 = arith.muli %arg1, %mul3A_3 : i32
    "tpu.region"() ({
      %run_scoped3A = tpu.sem_alloc : memref<!tpu.dma_semaphore, #tpu.memory_space<semaphore_mem>>
      %dma_start3A = arith.constant 0 : i32
      %dma_start3A_17 = tpu.memref_slice %arg7[%mul3A_4, %dma_start3A] : memref<10240x128xf32, #tpu.memory_space<vmem_shared>> -> memref<640x128xf32, #tpu.memory_space<vmem_shared>>
      %dma_start3A_18 = arith.constant 0 : i32
      %dma_start3A_19 = tpu.memref_slice %arg5[%mul3A_2, %dma_start3A_18] : memref<10240x128xf32, #tpu.memory_space<hbm>> -> memref<640x128xf32, #tpu.memory_space<hbm>>
      tpu.enqueue_dma source(%dma_start3A_19 : memref<640x128xf32, #tpu.memory_space<hbm>>) target(%dma_start3A_17 : memref<640x128xf32, #tpu.memory_space<vmem_shared>>) target_semaphore(%run_scoped3A : memref<!tpu.dma_semaphore, #tpu.memory_space<semaphore_mem>>)
      %dma_wait3A = arith.constant 0 : i32
      %dma_wait3A_20 = tpu.memref_slice %arg7[%mul3A_4, %dma_wait3A] : memref<10240x128xf32, #tpu.memory_space<vmem_shared>> -> memref<640x128xf32, #tpu.memory_space<vmem_shared>>
      %dma_wait3A_21 = arith.constant 0 : i32
      %dma_wait3A_22 = tpu.memref_slice %arg5[%mul3A_2, %dma_wait3A_21] : memref<10240x128xf32, #tpu.memory_space<hbm>> -> memref<640x128xf32, #tpu.memory_space<hbm>>
      tpu.wait_dma2 semaphore(%run_scoped3A : memref<!tpu.dma_semaphore, #tpu.memory_space<semaphore_mem>>) src(%dma_wait3A_22 : memref<640x128xf32, #tpu.memory_space<hbm>>) dst(%dma_wait3A_20 : memref<640x128xf32, #tpu.memory_space<vmem_shared>>)
      tpu.yield
    }) : () -> ()
    %barrier3A = arith.constant 0 : index
    tpu.barrier barrier_id(%barrier3A)
    %mul3A_5 = arith.constant 10240 : i32
    %mul3A_6 = arith.muli %add3A, %mul3A_5 : i32
    %scan3A = arith.constant 0 : i32
    %scan3A_7 = arith.constant 0 : i32
    %scan3A_8 = arith.constant 80 : i32
    %scan3A_9 = arith.addi %scan3A_7, %scan3A_8 : i32
    %scan3A_10 = arith.constant 1 : i32
    scf.for %scan3A_17 = %scan3A_7 to %scan3A_9 step %scan3A_10  : i32 {
      %mul3A_18 = arith.constant 128 : i32
      %mul3A_19 = arith.muli %scan3A_17, %mul3A_18 : i32
      %add3A_20 = arith.addi %mul3A_6, %mul3A_19 : i32
      "tpu.region"() ({
        %run_scoped3A = tpu.sem_alloc : memref<!tpu.dma_semaphore, #tpu.memory_space<semaphore_mem>>
        %dma_start3A_31 = tpu.memref_slice %arg3[%add3A_20] : memref<327680xi32, #tpu.memory_space<hbm>> -> memref<128xi32, #tpu.memory_space<hbm>>
        %dma_start3A_32 = tpu.memref_slice %arg3[%add3A_20] : memref<327680xi32, #tpu.memory_space<hbm>> -> memref<128xi32, #tpu.memory_space<hbm>>
        tpu.enqueue_dma source(%dma_start3A_32 : memref<128xi32, #tpu.memory_space<hbm>>) target(%arg8 : memref<128xi32, #tpu.memory_space<vmem>>) target_semaphore(%run_scoped3A : memref<!tpu.dma_semaphore, #tpu.memory_space<semaphore_mem>>)
        %dma_wait3A_33 = tpu.memref_slice %arg3[%add3A_20] : memref<327680xi32, #tpu.memory_space<hbm>> -> memref<128xi32, #tpu.memory_space<hbm>>
        %dma_wait3A_34 = tpu.memref_slice %arg3[%add3A_20] : memref<327680xi32, #tpu.memory_space<hbm>> -> memref<128xi32, #tpu.memory_space<hbm>>
        tpu.wait_dma2 semaphore(%run_scoped3A : memref<!tpu.dma_semaphore, #tpu.memory_space<semaphore_mem>>) src(%dma_wait3A_34 : memref<128xi32, #tpu.memory_space<hbm>>) dst(%arg8 : memref<128xi32, #tpu.memory_space<vmem>>)
        tpu.yield
      }) : () -> ()
      "tpu.region"() ({
        %run_scoped3A = tpu.sem_alloc : memref<!tpu.dma_semaphore, #tpu.memory_space<semaphore_mem>>
        %dma_start3A_31 = tpu.memref_slice %arg4[%add3A_20] : memref<327680xi32, #tpu.memory_space<hbm>> -> memref<128xi32, #tpu.memory_space<hbm>>
        %dma_start3A_32 = tpu.memref_slice %arg4[%add3A_20] : memref<327680xi32, #tpu.memory_space<hbm>> -> memref<128xi32, #tpu.memory_space<hbm>>
        tpu.enqueue_dma source(%dma_start3A_32 : memref<128xi32, #tpu.memory_space<hbm>>) target(%arg9 : memref<128xi32, #tpu.memory_space<vmem>>) target_semaphore(%run_scoped3A : memref<!tpu.dma_semaphore, #tpu.memory_space<semaphore_mem>>)
        %dma_wait3A_33 = tpu.memref_slice %arg4[%add3A_20] : memref<327680xi32, #tpu.memory_space<hbm>> -> memref<128xi32, #tpu.memory_space<hbm>>
        %dma_wait3A_34 = tpu.memref_slice %arg4[%add3A_20] : memref<327680xi32, #tpu.memory_space<hbm>> -> memref<128xi32, #tpu.memory_space<hbm>>
        tpu.wait_dma2 semaphore(%run_scoped3A : memref<!tpu.dma_semaphore, #tpu.memory_space<semaphore_mem>>) src(%dma_wait3A_34 : memref<128xi32, #tpu.memory_space<hbm>>) dst(%arg9 : memref<128xi32, #tpu.memory_space<vmem>>)
        tpu.yield
      }) : () -> ()
      %dma_start3A = arith.constant 0 : i32
      %dma_start3A_21 = arith.constant 0 : i32
      %dma_start3A_22 = tpu.memref_slice %arg2[%dma_start3A, %dma_start3A_21] : memref<10240x128xf32, #tpu.memory_space<hbm>> -> memref<10240x128xf32, #tpu.memory_space<hbm>>
      tpu.enqueue_indirect_dma source(%dma_start3A_22 : memref<10240x128xf32, #tpu.memory_space<hbm>>) target(%arg10 : memref<128x128xf32, #tpu.memory_space<vmem>>) offsets(%arg8 : memref<128xi32, #tpu.memory_space<vmem>>) semaphore(%arg12 : memref<!tpu.dma_semaphore, #tpu.memory_space<semaphore_mem>>)
      %dma_wait3A = arith.constant 0 : i32
      %dma_wait3A_23 = arith.constant 0 : i32
      %dma_wait3A_24 = tpu.memref_slice %arg2[%dma_wait3A, %dma_wait3A_23] : memref<10240x128xf32, #tpu.memory_space<hbm>> -> memref<10240x128xf32, #tpu.memory_space<hbm>>
      tpu.wait_indirect_dma semaphore(%arg12 : memref<!tpu.dma_semaphore, #tpu.memory_space<semaphore_mem>>) src(%dma_wait3A_24 : memref<10240x128xf32, #tpu.memory_space<hbm>>) dst(%arg10 : memref<128x128xf32, #tpu.memory_space<vmem>>)
      %dma_start3A_25 = arith.constant 0 : i32
      %dma_start3A_26 = arith.constant 0 : i32
      %dma_start3A_27 = tpu.memref_slice %arg7[%dma_start3A_25, %dma_start3A_26] : memref<10240x128xf32, #tpu.memory_space<vmem_shared>> -> memref<10240x128xf32, #tpu.memory_space<vmem_shared>>
      tpu.enqueue_indirect_dma source(%arg10 : memref<128x128xf32, #tpu.memory_space<vmem>>) target(%dma_start3A_27 : memref<10240x128xf32, #tpu.memory_space<vmem_shared>>) offsets(%arg9 : memref<128xi32, #tpu.memory_space<vmem>>) semaphore(%arg14 : memref<!tpu.dma_semaphore, #tpu.memory_space<semaphore_mem>>) {add = true}
      %dma_wait3A_28 = arith.constant 0 : i32
      %dma_wait3A_29 = arith.constant 0 : i32
      %dma_wait3A_30 = tpu.memref_slice %arg7[%dma_wait3A_28, %dma_wait3A_29] : memref<10240x128xf32, #tpu.memory_space<vmem_shared>> -> memref<10240x128xf32, #tpu.memory_space<vmem_shared>>
      tpu.wait_indirect_dma semaphore(%arg14 : memref<!tpu.dma_semaphore, #tpu.memory_space<semaphore_mem>>) src(%arg10 : memref<128x128xf32, #tpu.memory_space<vmem>>) dst(%dma_wait3A_30 : memref<10240x128xf32, #tpu.memory_space<vmem_shared>>)
    }
    %scan3A_11 = arith.constant 80 : i32
    %barrier3A_12 = arith.constant 0 : index
    tpu.barrier barrier_id(%barrier3A_12)
    %mul3A_13 = arith.constant 640 : i32
    %mul3A_14 = arith.muli %arg1, %mul3A_13 : i32
    %mul3A_15 = arith.constant 640 : i32
    %mul3A_16 = arith.muli %arg1, %mul3A_15 : i32
    "tpu.region"() ({
      %run_scoped3A = tpu.sem_alloc : memref<!tpu.dma_semaphore, #tpu.memory_space<semaphore_mem>>
      %dma_start3A = arith.constant 0 : i32
      %dma_start3A_17 = tpu.memref_slice %arg6[%arg0, %mul3A_16, %dma_start3A] : memref<2x10240x128xf32, #tpu.memory_space<hbm>> -> memref<1x640x128xf32, #tpu.memory_space<hbm>>
      %dma_start3A_18 = tpu.memref_squeeze %dma_start3A_17 : memref<1x640x128xf32, #tpu.memory_space<hbm>> -> memref<640x128xf32, #tpu.memory_space<hbm>>
      %dma_start3A_19 = arith.constant 0 : i32
      %dma_start3A_20 = tpu.memref_slice %arg7[%mul3A_14, %dma_start3A_19] : memref<10240x128xf32, #tpu.memory_space<vmem_shared>> -> memref<640x128xf32, #tpu.memory_space<vmem_shared>>
      tpu.enqueue_dma source(%dma_start3A_20 : memref<640x128xf32, #tpu.memory_space<vmem_shared>>) target(%dma_start3A_18 : memref<640x128xf32, #tpu.memory_space<hbm>>) target_semaphore(%run_scoped3A : memref<!tpu.dma_semaphore, #tpu.memory_space<semaphore_mem>>)
      %dma_wait3A = arith.constant 0 : i32
      %dma_wait3A_21 = tpu.memref_slice %arg6[%arg0, %mul3A_16, %dma_wait3A] : memref<2x10240x128xf32, #tpu.memory_space<hbm>> -> memref<1x640x128xf32, #tpu.memory_space<hbm>>
      %dma_wait3A_22 = tpu.memref_squeeze %dma_wait3A_21 : memref<1x640x128xf32, #tpu.memory_space<hbm>> -> memref<640x128xf32, #tpu.memory_space<hbm>>
      %dma_wait3A_23 = arith.constant 0 : i32
      %dma_wait3A_24 = tpu.memref_slice %arg7[%mul3A_14, %dma_wait3A_23] : memref<10240x128xf32, #tpu.memory_space<vmem_shared>> -> memref<640x128xf32, #tpu.memory_space<vmem_shared>>
      tpu.wait_dma2 semaphore(%run_scoped3A : memref<!tpu.dma_semaphore, #tpu.memory_space<semaphore_mem>>) src(%dma_wait3A_24 : memref<640x128xf32, #tpu.memory_space<vmem_shared>>) dst(%dma_wait3A_22 : memref<640x128xf32, #tpu.memory_space<hbm>>)
      tpu.yield
    }) : () -> ()
    return
  }
}

#map = affine_map<(d0, d1) -> (0)>
#map1 = affine_map<(d0, d1) -> (0, 0)>
#map2 = affine_map<(d0, d1) -> (0, 0, 0)>
module attributes {stable_mosaic.version = 14 : i64} {
  func.func @deg_kernel(%arg0: i32, %arg1: i32, %arg2: memref<327680xi32, #tpu.memory_space<hbm>>, %arg3: memref<10240x4xf32, #tpu.memory_space<hbm>>, %arg4: memref<128x4xf32, #tpu.memory_space<hbm>>, %arg5: memref<2x10240x4xf32, #tpu.memory_space<hbm>>, %arg6: memref<10240x4xf32, #tpu.memory_space<vmem_shared>>, %arg7: memref<128xi32, #tpu.memory_space<vmem>>, %arg8: memref<128x4xf32, #tpu.memory_space<vmem>>, %arg9: memref<!tpu.dma_semaphore, #tpu.memory_space<semaphore_mem>>, %arg10: memref<!tpu.dma_semaphore, #tpu.memory_space<semaphore_mem>>) attributes {dimension_semantics = [#tpu.dimension_semantics<core_parallel>, #tpu.dimension_semantics<subcore_parallel>], iteration_bounds = array<i64: 2, 16>, scalar_prefetch = 0 : i64, scratch_operands = 5 : i64, tpu.core_type = #tpu.core_type<sc_vector_subcore>, window_params = [{transform_indices = #map}, {transform_indices = #map1}, {transform_indices = #map1}, {transform_indices = #map2}]} {
    %mul3A = arith.constant 16 : i32
    %mul3A_0 = arith.muli %arg0, %mul3A : i32
    %add3A = arith.addi %mul3A_0, %arg1 : i32
    %mul3A_1 = arith.constant 640 : i32
    %mul3A_2 = arith.muli %arg1, %mul3A_1 : i32
    %mul3A_3 = arith.constant 640 : i32
    %mul3A_4 = arith.muli %arg1, %mul3A_3 : i32
    "tpu.region"() ({
      %run_scoped3A = tpu.sem_alloc : memref<!tpu.dma_semaphore, #tpu.memory_space<semaphore_mem>>
      %dma_start3A = arith.constant 0 : i32
      %dma_start3A_17 = tpu.memref_slice %arg6[%mul3A_4, %dma_start3A] : memref<10240x4xf32, #tpu.memory_space<vmem_shared>> -> memref<640x4xf32, #tpu.memory_space<vmem_shared>>
      %dma_start3A_18 = arith.constant 0 : i32
      %dma_start3A_19 = tpu.memref_slice %arg3[%mul3A_2, %dma_start3A_18] : memref<10240x4xf32, #tpu.memory_space<hbm>> -> memref<640x4xf32, #tpu.memory_space<hbm>>
      tpu.enqueue_dma source(%dma_start3A_19 : memref<640x4xf32, #tpu.memory_space<hbm>>) target(%dma_start3A_17 : memref<640x4xf32, #tpu.memory_space<vmem_shared>>) target_semaphore(%run_scoped3A : memref<!tpu.dma_semaphore, #tpu.memory_space<semaphore_mem>>)
      %dma_wait3A = arith.constant 0 : i32
      %dma_wait3A_20 = tpu.memref_slice %arg6[%mul3A_4, %dma_wait3A] : memref<10240x4xf32, #tpu.memory_space<vmem_shared>> -> memref<640x4xf32, #tpu.memory_space<vmem_shared>>
      %dma_wait3A_21 = arith.constant 0 : i32
      %dma_wait3A_22 = tpu.memref_slice %arg3[%mul3A_2, %dma_wait3A_21] : memref<10240x4xf32, #tpu.memory_space<hbm>> -> memref<640x4xf32, #tpu.memory_space<hbm>>
      tpu.wait_dma2 semaphore(%run_scoped3A : memref<!tpu.dma_semaphore, #tpu.memory_space<semaphore_mem>>) src(%dma_wait3A_22 : memref<640x4xf32, #tpu.memory_space<hbm>>) dst(%dma_wait3A_20 : memref<640x4xf32, #tpu.memory_space<vmem_shared>>)
      tpu.yield
    }) : () -> ()
    "tpu.region"() ({
      %run_scoped3A = tpu.sem_alloc : memref<!tpu.dma_semaphore, #tpu.memory_space<semaphore_mem>>
      tpu.enqueue_dma source(%arg4 : memref<128x4xf32, #tpu.memory_space<hbm>>) target(%arg8 : memref<128x4xf32, #tpu.memory_space<vmem>>) target_semaphore(%run_scoped3A : memref<!tpu.dma_semaphore, #tpu.memory_space<semaphore_mem>>)
      tpu.wait_dma2 semaphore(%run_scoped3A : memref<!tpu.dma_semaphore, #tpu.memory_space<semaphore_mem>>) src(%arg4 : memref<128x4xf32, #tpu.memory_space<hbm>>) dst(%arg8 : memref<128x4xf32, #tpu.memory_space<vmem>>)
      tpu.yield
    }) : () -> ()
    %barrier3A = arith.constant 0 : index
    tpu.barrier barrier_id(%barrier3A)
    %mul3A_5 = arith.constant 10240 : i32
    %mul3A_6 = arith.muli %add3A, %mul3A_5 : i32
    %scan3A = arith.constant 0 : i32
    %scan3A_7 = arith.constant 0 : i32
    %scan3A_8 = arith.constant 80 : i32
    %scan3A_9 = arith.addi %scan3A_7, %scan3A_8 : i32
    %scan3A_10 = arith.constant 1 : i32
    scf.for %scan3A_17 = %scan3A_7 to %scan3A_9 step %scan3A_10  : i32 {
      %mul3A_18 = arith.constant 128 : i32
      %mul3A_19 = arith.muli %scan3A_17, %mul3A_18 : i32
      %add3A_20 = arith.addi %mul3A_6, %mul3A_19 : i32
      "tpu.region"() ({
        %run_scoped3A = tpu.sem_alloc : memref<!tpu.dma_semaphore, #tpu.memory_space<semaphore_mem>>
        %dma_start3A_25 = tpu.memref_slice %arg2[%add3A_20] : memref<327680xi32, #tpu.memory_space<hbm>> -> memref<128xi32, #tpu.memory_space<hbm>>
        %dma_start3A_26 = tpu.memref_slice %arg2[%add3A_20] : memref<327680xi32, #tpu.memory_space<hbm>> -> memref<128xi32, #tpu.memory_space<hbm>>
        tpu.enqueue_dma source(%dma_start3A_26 : memref<128xi32, #tpu.memory_space<hbm>>) target(%arg7 : memref<128xi32, #tpu.memory_space<vmem>>) target_semaphore(%run_scoped3A : memref<!tpu.dma_semaphore, #tpu.memory_space<semaphore_mem>>)
        %dma_wait3A_27 = tpu.memref_slice %arg2[%add3A_20] : memref<327680xi32, #tpu.memory_space<hbm>> -> memref<128xi32, #tpu.memory_space<hbm>>
        %dma_wait3A_28 = tpu.memref_slice %arg2[%add3A_20] : memref<327680xi32, #tpu.memory_space<hbm>> -> memref<128xi32, #tpu.memory_space<hbm>>
        tpu.wait_dma2 semaphore(%run_scoped3A : memref<!tpu.dma_semaphore, #tpu.memory_space<semaphore_mem>>) src(%dma_wait3A_28 : memref<128xi32, #tpu.memory_space<hbm>>) dst(%arg7 : memref<128xi32, #tpu.memory_space<vmem>>)
        tpu.yield
      }) : () -> ()
      %dma_start3A = arith.constant 0 : i32
      %dma_start3A_21 = arith.constant 0 : i32
      %dma_start3A_22 = tpu.memref_slice %arg6[%dma_start3A, %dma_start3A_21] : memref<10240x4xf32, #tpu.memory_space<vmem_shared>> -> memref<10240x4xf32, #tpu.memory_space<vmem_shared>>
      tpu.enqueue_indirect_dma source(%arg8 : memref<128x4xf32, #tpu.memory_space<vmem>>) target(%dma_start3A_22 : memref<10240x4xf32, #tpu.memory_space<vmem_shared>>) offsets(%arg7 : memref<128xi32, #tpu.memory_space<vmem>>) semaphore(%arg9 : memref<!tpu.dma_semaphore, #tpu.memory_space<semaphore_mem>>) {add = true}
      %dma_wait3A = arith.constant 0 : i32
      %dma_wait3A_23 = arith.constant 0 : i32
      %dma_wait3A_24 = tpu.memref_slice %arg6[%dma_wait3A, %dma_wait3A_23] : memref<10240x4xf32, #tpu.memory_space<vmem_shared>> -> memref<10240x4xf32, #tpu.memory_space<vmem_shared>>
      tpu.wait_indirect_dma semaphore(%arg9 : memref<!tpu.dma_semaphore, #tpu.memory_space<semaphore_mem>>) src(%arg8 : memref<128x4xf32, #tpu.memory_space<vmem>>) dst(%dma_wait3A_24 : memref<10240x4xf32, #tpu.memory_space<vmem_shared>>)
    }
    %scan3A_11 = arith.constant 80 : i32
    %barrier3A_12 = arith.constant 0 : index
    tpu.barrier barrier_id(%barrier3A_12)
    %mul3A_13 = arith.constant 640 : i32
    %mul3A_14 = arith.muli %arg1, %mul3A_13 : i32
    %mul3A_15 = arith.constant 640 : i32
    %mul3A_16 = arith.muli %arg1, %mul3A_15 : i32
    "tpu.region"() ({
      %run_scoped3A = tpu.sem_alloc : memref<!tpu.dma_semaphore, #tpu.memory_space<semaphore_mem>>
      %dma_start3A = arith.constant 0 : i32
      %dma_start3A_17 = tpu.memref_slice %arg5[%arg0, %mul3A_16, %dma_start3A] : memref<2x10240x4xf32, #tpu.memory_space<hbm>> -> memref<1x640x4xf32, #tpu.memory_space<hbm>>
      %dma_start3A_18 = tpu.memref_squeeze %dma_start3A_17 : memref<1x640x4xf32, #tpu.memory_space<hbm>> -> memref<640x4xf32, #tpu.memory_space<hbm>>
      %dma_start3A_19 = arith.constant 0 : i32
      %dma_start3A_20 = tpu.memref_slice %arg6[%mul3A_14, %dma_start3A_19] : memref<10240x4xf32, #tpu.memory_space<vmem_shared>> -> memref<640x4xf32, #tpu.memory_space<vmem_shared>>
      tpu.enqueue_dma source(%dma_start3A_20 : memref<640x4xf32, #tpu.memory_space<vmem_shared>>) target(%dma_start3A_18 : memref<640x4xf32, #tpu.memory_space<hbm>>) target_semaphore(%run_scoped3A : memref<!tpu.dma_semaphore, #tpu.memory_space<semaphore_mem>>)
      %dma_wait3A = arith.constant 0 : i32
      %dma_wait3A_21 = tpu.memref_slice %arg5[%arg0, %mul3A_16, %dma_wait3A] : memref<2x10240x4xf32, #tpu.memory_space<hbm>> -> memref<1x640x4xf32, #tpu.memory_space<hbm>>
      %dma_wait3A_22 = tpu.memref_squeeze %dma_wait3A_21 : memref<1x640x4xf32, #tpu.memory_space<hbm>> -> memref<640x4xf32, #tpu.memory_space<hbm>>
      %dma_wait3A_23 = arith.constant 0 : i32
      %dma_wait3A_24 = tpu.memref_slice %arg6[%mul3A_14, %dma_wait3A_23] : memref<10240x4xf32, #tpu.memory_space<vmem_shared>> -> memref<640x4xf32, #tpu.memory_space<vmem_shared>>
      tpu.wait_dma2 semaphore(%run_scoped3A : memref<!tpu.dma_semaphore, #tpu.memory_space<semaphore_mem>>) src(%dma_wait3A_24 : memref<640x4xf32, #tpu.memory_space<vmem_shared>>) dst(%dma_wait3A_22 : memref<640x4xf32, #tpu.memory_space<hbm>>)
      tpu.yield
    }) : () -> ()
    return
  }
}

module attributes {stable_mosaic.version = 14 : i64} {
  func.func @_mm_scale_body(%arg0: i32, %arg1: memref<2x400x4xf32, #tpu.memory_space<vmem>>, %arg2: memref<400x128xf32, #tpu.memory_space<vmem>>, %arg3: memref<128x128xf32, #tpu.memory_space<vmem>>, %arg4: memref<400x1xf32, #tpu.memory_space<vmem>>, %arg5: memref<400x128xf32, #tpu.memory_space<vmem>>) attributes {dimension_semantics = [#tpu.dimension_semantics<arbitrary>], iteration_bounds = array<i64: 25>, scalar_prefetch = 0 : i64, scratch_operands = 0 : i64, tpu.core_type = #tpu.core_type<tc>, window_params = [{transform_indices = @transform_0, window_bounds = array<i64: 2, 400, 4>}, {transform_indices = @transform_1, window_bounds = array<i64: 400, 128>}, {pipeline_mode = #tpu.pipeline_mode<synchronous>, transform_indices = @transform_2, window_bounds = array<i64: 128, 128>}, {transform_indices = @transform_3, window_bounds = array<i64: 400, 1>}, {transform_indices = @transform_4, window_bounds = array<i64: 400, 128>}]} {
    %get3A = arith.constant 0 : index
    %get3A_0 = arith.constant 0 : index
    %get3A_1 = arith.constant 0 : index
    %get3A_2 = vector.load %arg1[%get3A, %get3A_0, %get3A_1] : memref<2x400x4xf32, #tpu.memory_space<vmem>>, vector<2x400x4xf32>
    %reduce_sum3A = arith.constant dense<0.000000e+00> : vector<400x4xf32>
    %reduce_sum3A_3 = vector.multi_reduction <add>, %get3A_2, %reduce_sum3A [0] : vector<2x400x4xf32> to vector<400x4xf32>
    %slice3A = vector.extract_strided_slice %reduce_sum3A_3 {offsets = [0, 0], sizes = [400, 1], strides = [1, 1]} : vector<400x4xf32> to vector<400x1xf32>
    %add3A = arith.constant 1.000000e+00 : f32
    %add3A_4 = vector.broadcast %add3A : f32 to vector<400x1xf32>
    %add3A_5 = arith.addf %slice3A, %add3A_4 : vector<400x1xf32>
    %rsqrt3A = math.rsqrt %add3A_5 : vector<400x1xf32>
    %swap3A = arith.constant 0 : index
    %swap3A_6 = arith.constant 0 : index
    %swap3A_7 = vector.load %arg4[%swap3A, %swap3A_6] : memref<400x1xf32, #tpu.memory_space<vmem>>, vector<400x1xf32>
    tpu.vector_store %arg4[%swap3A, %swap3A_6], %rsqrt3A {strides = array<i32>} : memref<400x1xf32, #tpu.memory_space<vmem>>, vector<400x1xf32>,
    %get3A_8 = arith.constant 0 : index
    %get3A_9 = arith.constant 0 : index
    %get3A_10 = vector.load %arg2[%get3A_8, %get3A_9] : memref<400x128xf32, #tpu.memory_space<vmem>>, vector<400x128xf32>
    %get3A_11 = arith.constant 0 : index
    %get3A_12 = arith.constant 0 : index
    %get3A_13 = vector.load %arg3[%get3A_11, %get3A_12] : memref<128x128xf32, #tpu.memory_space<vmem>>, vector<128x128xf32>
    %dot_general3A = arith.constant dense<0.000000e+00> : vector<400x128xf32>
    %dot_general3A_14 = tpu.matmul %get3A_10, %get3A_13, %dot_general3A {dimension_numbers = #tpu.dot_dimension_numbers<[1], [0], [0], [1], [0, 0, 1, 1], [], []>, transpose_lhs_hint = false} : vector<400x128xf32>, vector<128x128xf32>, vector<400x128xf32> -> vector<400x128xf32>
    %mul3A = vector.broadcast %rsqrt3A : vector<400x1xf32> to vector<400x128xf32>
    %mul3A_15 = arith.mulf %dot_general3A_14, %mul3A : vector<400x128xf32>
    %swap3A_16 = arith.constant 0 : index
    %swap3A_17 = arith.constant 0 : index
    %swap3A_18 = vector.load %arg5[%swap3A_16, %swap3A_17] : memref<400x128xf32, #tpu.memory_space<vmem>>, vector<400x128xf32>
    tpu.vector_store %arg5[%swap3A_16, %swap3A_17], %mul3A_15 {strides = array<i32>} : memref<400x128xf32, #tpu.memory_space<vmem>>, vector<400x128xf32>,
    return
  }
  func.func @transform_0(%arg0: i32) -> (i32, i32, i32) {
    %c0_i32 = arith.constant 0 : i32
    %c0_i32_0 = arith.constant 0 : i32
    %c0_i32_1 = arith.constant 0 : i32
    return %c0_i32, %arg0, %c0_i32_0 : i32, i32, i32
  }
  func.func @transform_1(%arg0: i32) -> (i32, i32) {
    %c0_i32 = arith.constant 0 : i32
    %c0_i32_0 = arith.constant 0 : i32
    return %arg0, %c0_i32 : i32, i32
  }
  func.func @transform_2(%arg0: i32) -> (i32, i32) {
    %c0_i32 = arith.constant 0 : i32
    %c0_i32_0 = arith.constant 0 : i32
    %c0_i32_1 = arith.constant 0 : i32
    return %c0_i32, %c0_i32_0 : i32, i32
  }
  func.func @transform_3(%arg0: i32) -> (i32, i32) {
    %c0_i32 = arith.constant 0 : i32
    %c0_i32_0 = arith.constant 0 : i32
    return %arg0, %c0_i32 : i32, i32
  }
  func.func @transform_4(%arg0: i32) -> (i32, i32) {
    %c0_i32 = arith.constant 0 : i32
    %c0_i32_0 = arith.constant 0 : i32
    return %arg0, %c0_i32 : i32, i32
  }
}

module attributes {stable_mosaic.version = 14 : i64} {
  func.func @_combine_mm_body(%arg0: i32, %arg1: memref<2x400x128xf32, #tpu.memory_space<vmem>>, %arg2: memref<400x128xf32, #tpu.memory_space<vmem>>, %arg3: memref<400x1xf32, #tpu.memory_space<vmem>>, %arg4: memref<1x128xf32, #tpu.memory_space<vmem>>, %arg5: memref<128x64xf32, #tpu.memory_space<vmem>>, %arg6: memref<400x64xf32, #tpu.memory_space<vmem>>) attributes {dimension_semantics = [#tpu.dimension_semantics<arbitrary>], iteration_bounds = array<i64: 25>, scalar_prefetch = 0 : i64, scratch_operands = 0 : i64, tpu.core_type = #tpu.core_type<tc>, window_params = [{transform_indices = @transform_0, window_bounds = array<i64: 2, 400, 128>}, {transform_indices = @transform_1, window_bounds = array<i64: 400, 128>}, {transform_indices = @transform_2, window_bounds = array<i64: 400, 1>}, {pipeline_mode = #tpu.pipeline_mode<synchronous>, transform_indices = @transform_3, window_bounds = array<i64: 1, 128>}, {pipeline_mode = #tpu.pipeline_mode<synchronous>, transform_indices = @transform_4, window_bounds = array<i64: 128, 64>}, {transform_indices = @transform_5, window_bounds = array<i64: 400, 64>}]} {
    %get3A = arith.constant 0 : index
    %get3A_0 = arith.constant 0 : index
    %get3A_1 = vector.load %arg3[%get3A, %get3A_0] : memref<400x1xf32, #tpu.memory_space<vmem>>, vector<400x1xf32>
    %get3A_2 = arith.constant 0 : index
    %get3A_3 = arith.constant 0 : index
    %get3A_4 = arith.constant 0 : index
    %get3A_5 = vector.load %arg1[%get3A_2, %get3A_3, %get3A_4] : memref<2x400x128xf32, #tpu.memory_space<vmem>>, vector<1x400x128xf32>
    %get3A_6 = vector.shape_cast %get3A_5 : vector<1x400x128xf32> to vector<400x128xf32>
    %get3A_7 = arith.constant 1 : index
    %get3A_8 = arith.constant 0 : index
    %get3A_9 = arith.constant 0 : index
    %get3A_10 = vector.load %arg1[%get3A_7, %get3A_8, %get3A_9] : memref<2x400x128xf32, #tpu.memory_space<vmem>>, vector<1x400x128xf32>
    %get3A_11 = vector.shape_cast %get3A_10 : vector<1x400x128xf32> to vector<400x128xf32>
    %add3A = arith.addf %get3A_6, %get3A_11 : vector<400x128xf32>
    %get3A_12 = arith.constant 0 : index
    %get3A_13 = arith.constant 0 : index
    %get3A_14 = vector.load %arg2[%get3A_12, %get3A_13] : memref<400x128xf32, #tpu.memory_space<vmem>>, vector<400x128xf32>
    %add3A_15 = arith.addf %add3A, %get3A_14 : vector<400x128xf32>
    %mul3A = vector.broadcast %get3A_1 : vector<400x1xf32> to vector<400x128xf32>
    %mul3A_16 = arith.mulf %mul3A, %add3A_15 : vector<400x128xf32>
    %get3A_17 = arith.constant 0 : index
    %get3A_18 = arith.constant 0 : index
    %get3A_19 = vector.load %arg4[%get3A_17, %get3A_18] : memref<1x128xf32, #tpu.memory_space<vmem>>, vector<1x128xf32>
    %add3A_20 = vector.broadcast %get3A_19 : vector<1x128xf32> to vector<400x128xf32>
    %add3A_21 = arith.addf %mul3A_16, %add3A_20 : vector<400x128xf32>
    %max3A = arith.constant 0.000000e+00 : f32
    %max3A_22 = vector.broadcast %max3A : f32 to vector<400x128xf32>
    %max3A_23 = arith.maximumf %add3A_21, %max3A_22 : vector<400x128xf32>
    %get3A_24 = arith.constant 0 : index
    %get3A_25 = arith.constant 0 : index
    %get3A_26 = vector.load %arg5[%get3A_24, %get3A_25] : memref<128x64xf32, #tpu.memory_space<vmem>>, vector<128x64xf32>
    %dot_general3A = arith.constant dense<0.000000e+00> : vector<400x64xf32>
    %dot_general3A_27 = tpu.matmul %max3A_23, %get3A_26, %dot_general3A {dimension_numbers = #tpu.dot_dimension_numbers<[1], [0], [0], [1], [0, 0, 1, 1], [], []>, transpose_lhs_hint = false} : vector<400x128xf32>, vector<128x64xf32>, vector<400x64xf32> -> vector<400x64xf32>
    %mul3A_28 = vector.broadcast %get3A_1 : vector<400x1xf32> to vector<400x64xf32>
    %mul3A_29 = arith.mulf %dot_general3A_27, %mul3A_28 : vector<400x64xf32>
    %swap3A = arith.constant 0 : index
    %swap3A_30 = arith.constant 0 : index
    %swap3A_31 = vector.load %arg6[%swap3A, %swap3A_30] : memref<400x64xf32, #tpu.memory_space<vmem>>, vector<400x64xf32>
    tpu.vector_store %arg6[%swap3A, %swap3A_30], %mul3A_29 {strides = array<i32>} : memref<400x64xf32, #tpu.memory_space<vmem>>, vector<400x64xf32>,
    return
  }
  func.func @transform_0(%arg0: i32) -> (i32, i32, i32) {
    %c0_i32 = arith.constant 0 : i32
    %c0_i32_0 = arith.constant 0 : i32
    %c0_i32_1 = arith.constant 0 : i32
    return %c0_i32, %arg0, %c0_i32_0 : i32, i32, i32
  }
  func.func @transform_1(%arg0: i32) -> (i32, i32) {
    %c0_i32 = arith.constant 0 : i32
    %c0_i32_0 = arith.constant 0 : i32
    return %arg0, %c0_i32 : i32, i32
  }
  func.func @transform_2(%arg0: i32) -> (i32, i32) {
    %c0_i32 = arith.constant 0 : i32
    %c0_i32_0 = arith.constant 0 : i32
    return %arg0, %c0_i32 : i32, i32
  }
  func.func @transform_3(%arg0: i32) -> (i32, i32) {
    %c0_i32 = arith.constant 0 : i32
    %c0_i32_0 = arith.constant 0 : i32
    %c0_i32_1 = arith.constant 0 : i32
    return %c0_i32, %c0_i32_0 : i32, i32
  }
  func.func @transform_4(%arg0: i32) -> (i32, i32) {
    %c0_i32 = arith.constant 0 : i32
    %c0_i32_0 = arith.constant 0 : i32
    %c0_i32_1 = arith.constant 0 : i32
    return %c0_i32, %c0_i32_0 : i32, i32
  }
  func.func @transform_5(%arg0: i32) -> (i32, i32) {
    %c0_i32 = arith.constant 0 : i32
    %c0_i32_0 = arith.constant 0 : i32
    return %arg0, %c0_i32 : i32, i32
  }
}

module attributes {stable_mosaic.version = 14 : i64} {
  func.func @_final_body(%arg0: i32, %arg1: memref<2x400x64xf32, #tpu.memory_space<vmem>>, %arg2: memref<400x64xf32, #tpu.memory_space<vmem>>, %arg3: memref<400x1xf32, #tpu.memory_space<vmem>>, %arg4: memref<1x64xf32, #tpu.memory_space<vmem>>, %arg5: memref<400x64xf32, #tpu.memory_space<vmem>>) attributes {dimension_semantics = [#tpu.dimension_semantics<arbitrary>], iteration_bounds = array<i64: 25>, scalar_prefetch = 0 : i64, scratch_operands = 0 : i64, tpu.core_type = #tpu.core_type<tc>, window_params = [{transform_indices = @transform_0, window_bounds = array<i64: 2, 400, 64>}, {transform_indices = @transform_1, window_bounds = array<i64: 400, 64>}, {transform_indices = @transform_2, window_bounds = array<i64: 400, 1>}, {pipeline_mode = #tpu.pipeline_mode<synchronous>, transform_indices = @transform_3, window_bounds = array<i64: 1, 64>}, {transform_indices = @transform_4, window_bounds = array<i64: 400, 64>}]} {
    %get3A = arith.constant 0 : index
    %get3A_0 = arith.constant 0 : index
    %get3A_1 = vector.load %arg3[%get3A, %get3A_0] : memref<400x1xf32, #tpu.memory_space<vmem>>, vector<400x1xf32>
    %get3A_2 = arith.constant 0 : index
    %get3A_3 = arith.constant 0 : index
    %get3A_4 = arith.constant 0 : index
    %get3A_5 = vector.load %arg1[%get3A_2, %get3A_3, %get3A_4] : memref<2x400x64xf32, #tpu.memory_space<vmem>>, vector<1x400x64xf32>
    %get3A_6 = vector.shape_cast %get3A_5 : vector<1x400x64xf32> to vector<400x64xf32>
    %get3A_7 = arith.constant 1 : index
    %get3A_8 = arith.constant 0 : index
    %get3A_9 = arith.constant 0 : index
    %get3A_10 = vector.load %arg1[%get3A_7, %get3A_8, %get3A_9] : memref<2x400x64xf32, #tpu.memory_space<vmem>>, vector<1x400x64xf32>
    %get3A_11 = vector.shape_cast %get3A_10 : vector<1x400x64xf32> to vector<400x64xf32>
    %add3A = arith.addf %get3A_6, %get3A_11 : vector<400x64xf32>
    %get3A_12 = arith.constant 0 : index
    %get3A_13 = arith.constant 0 : index
    %get3A_14 = vector.load %arg2[%get3A_12, %get3A_13] : memref<400x64xf32, #tpu.memory_space<vmem>>, vector<400x64xf32>
    %add3A_15 = arith.addf %add3A, %get3A_14 : vector<400x64xf32>
    %mul3A = vector.broadcast %get3A_1 : vector<400x1xf32> to vector<400x64xf32>
    %mul3A_16 = arith.mulf %mul3A, %add3A_15 : vector<400x64xf32>
    %get3A_17 = arith.constant 0 : index
    %get3A_18 = arith.constant 0 : index
    %get3A_19 = vector.load %arg4[%get3A_17, %get3A_18] : memref<1x64xf32, #tpu.memory_space<vmem>>, vector<1x64xf32>
    %add3A_20 = vector.broadcast %get3A_19 : vector<1x64xf32> to vector<400x64xf32>
    %add3A_21 = arith.addf %mul3A_16, %add3A_20 : vector<400x64xf32>
    %reduce_max3A = arith.constant dense<0xFF800000> : vector<400xf32>
    %reduce_max3A_22 = vector.multi_reduction <maximumf>, %add3A_21, %reduce_max3A [1] : vector<400x64xf32> to vector<400xf32>
    %broadcast_in_dim3A = vector.shape_cast %reduce_max3A_22 : vector<400xf32> to vector<400x1xf32>
    %sub3A = vector.broadcast %broadcast_in_dim3A : vector<400x1xf32> to vector<400x64xf32>
    %sub3A_23 = arith.subf %add3A_21, %sub3A : vector<400x64xf32>
    %exp3A = math.exp %sub3A_23 : vector<400x64xf32>
    %reduce_sum3A = arith.constant dense<0.000000e+00> : vector<400xf32>
    %reduce_sum3A_24 = vector.multi_reduction <add>, %exp3A, %reduce_sum3A [1] : vector<400x64xf32> to vector<400xf32>
    %broadcast_in_dim3A_25 = vector.shape_cast %reduce_sum3A_24 : vector<400xf32> to vector<400x1xf32>
    %log3A = math.log %broadcast_in_dim3A_25 : vector<400x1xf32>
    %sub3A_26 = vector.broadcast %broadcast_in_dim3A : vector<400x1xf32> to vector<400x64xf32>
    %sub3A_27 = arith.subf %add3A_21, %sub3A_26 : vector<400x64xf32>
    %sub3A_28 = vector.broadcast %log3A : vector<400x1xf32> to vector<400x64xf32>
    %sub3A_29 = arith.subf %sub3A_27, %sub3A_28 : vector<400x64xf32>
    %swap3A = arith.constant 0 : index
    %swap3A_30 = arith.constant 0 : index
    %swap3A_31 = vector.load %arg5[%swap3A, %swap3A_30] : memref<400x64xf32, #tpu.memory_space<vmem>>, vector<400x64xf32>
    tpu.vector_store %arg5[%swap3A, %swap3A_30], %sub3A_29 {strides = array<i32>} : memref<400x64xf32, #tpu.memory_space<vmem>>, vector<400x64xf32>,
    return
  }
  func.func @transform_0(%arg0: i32) -> (i32, i32, i32) {
    %c0_i32 = arith.constant 0 : i32
    %c0_i32_0 = arith.constant 0 : i32
    %c0_i32_1 = arith.constant 0 : i32
    return %c0_i32, %arg0, %c0_i32_0 : i32, i32, i32
  }
  func.func @transform_1(%arg0: i32) -> (i32, i32) {
    %c0_i32 = arith.constant 0 : i32
    %c0_i32_0 = arith.constant 0 : i32
    return %arg0, %c0_i32 : i32, i32
  }
  func.func @transform_2(%arg0: i32) -> (i32, i32) {
    %c0_i32 = arith.constant 0 : i32
    %c0_i32_0 = arith.constant 0 : i32
    return %arg0, %c0_i32 : i32, i32
  }
  func.func @transform_3(%arg0: i32) -> (i32, i32) {
    %c0_i32 = arith.constant 0 : i32
    %c0_i32_0 = arith.constant 0 : i32
    %c0_i32_1 = arith.constant 0 : i32
    return %c0_i32, %c0_i32_0 : i32, i32
  }
  func.func @transform_4(%arg0: i32) -> (i32, i32) {
    %c0_i32 = arith.constant 0 : i32
    %c0_i32_0 = arith.constant 0 : i32
    return %arg0, %c0_i32 : i32, i32
  }
}

</mosaic_0001>

<sc_bundles>
// kernel: kernel.11.cloned.1.call-start
scs
__scs_entry_jumppad:
0x0: {  	(pc) =	sbr.rel $0x88, $3  }
0x1: {  	(tag) =	ssettag $0x0;
	lr =	simm.s32 $0x1  }
0x2: {  	[smem:$0x3F9B] =	sst lr;
	_ =	strace $0xD0000000  }
0x3: {  	_ = 	snop  }
0x4: {  	_ = 	snop  }
0x5: {  	_ = 	snop  }
0x6: {  	_ = 	snop  }
0x7: {  	_ = 	snop  }
__scs_overlays_trampoline_lowered:
0x8: {  	[smem:$0x3FAA] =	sst s0  }
0x9: {  	[smem:$0x3FAB] =	sst s1  }
0xa: {  	[smem:$0x3FAC] =	sst s2  }
0xb: {  	[smem:$0x3FAD] =	sst s3  }
0xc: {  	[smem:$0x3FAE] =	sst s4  }
0xd: {  	[smem:$0x3FAF] =	sst s5  }
0xe: {  	[smem:$0x3FB0] =	sst s6  }
0xf: {  	[smem:$0x3FB1] =	sst s7  }
0x10: {  	[smem:$0x3FB2] =	sst s8  }
0x11: {  	[smem:$0x3FB3] =	sst s9;
	s0 =	simm.s32 @!p0 $0x0  }
0x12: {  	s1 =	sld [smem:$0x3F99];
	s0 =	simm.s32 @p0 $0x1  }
0x13: {  	[smem:$0x3FB4] =	sst s0;
	s0 =	simm.s32 @!p1 $0x0  }
0x14: {  	s2 =	sld [smem:$0x3F98];
	s0 =	simm.s32 @p1 $0x1  }
0x15: {  	[smem:$0x3FB5] =	sst s0;
	s0 =	simm.s32 @!p2 $0x0  }
0x16: {  	s3 =	sld [smem:$0x3FDB];
	s0 =	simm.s32 @p2 $0x1  }
0x17: {  	s4 =	simm.s32 $0x1BF5;
	[smem:$0x3FB7] =	sst s0  }
0x18: {  	s0 =	sld [smem:$0x3F9A];
	_ =	swait.ge [sflag:s4], $0x0  }
0x19: {  	s7 =	sld [smem:$0x3F9B]  }
0x1a: {  	s8 =	sadd.s32 $0xFFFFE003, lr  }
0x1b: {  	s9 =	sadd.s32 $0xFFFFFEF7, lr;
	s5 =	simm.s32 $0xFFFFFFFF;
	p2 =	slt.u32 s8, $0xFFFFF086  }
0x1c: {  	p1 =	slt.u32 s9, $0xF7A;
	s5 =	simm.s32 @!p2 $0x0  }
0x1d: {  	s5 =	simm.s32 @p1 $0x1;
	p0 =	seq.s32 s7, s2  }
0x1e: {  	s7 =	smul.u32 @!p0 $0xF7A, s2;
	p2 =	seq.s32 @!p0 s5, $0x0  }
0x1f: {  	s9 =	smul.u32 $0xF7A, s1;
	s8 =	simm.s32 @!p0 $0x1BF5;
	p2 =	por !p2, p0  }
0x20: {  	[sflag:s8] =	ssyncset.s32 @!p0 $0xFFFFF086;
	s6 =	sadd.s32 @!p0 s3, s7;
	s7 =	simm.s32 @!p0 $0x108  }
0x21: {  	s3 =	sadd.s32 s3, s9;
	s6 =	sadd.s32 @!p0 $0x88, s6;
	s7 =	simm.s32 @p2 $0x1082  }
0x22: {  	[simem:s7], [sflag:s8] =	dma.local @!p0 [hbm:s6], $0xF7A  }
0x23: {  	s9 =	sor.u32 $0xD0000000, s2;
	s6 =	simm.s32 $0x108;
	_ =	swait.ge @!p0 [sflag:s8], $0x0  }
0x24: {  	s3 =	sadd.s32 $0x88, s3;
	s6 =	simm.s32 @!p1 $0x1082;
	[sflag:s4] =	ssyncset.s32 $0xFFFFF086  }
0x25: {  	[simem:s6], [sflag:s4] =	dma.local [hbm:s3], $0xF7A  }
0x26: {  	[smem:$0x3F9B] =	sst s1;
	(tag) =	ssettag s2;
	_ =	strace s9  }
0x27: {  	s1 =	sld [smem:$0x3FAB]  }
0x28: {  	s2 =	sld [smem:$0x3FAC]  }
0x29: {  	s4 =	sld [smem:$0x3FAE]  }
0x2a: {  	p0 =	seq.s32 s5, $0x0;
	s5 =	sld [smem:$0x3FAF]  }
0x2b: {  	s6 =	sld [smem:$0x3FB0]  }
0x2c: {  	s7 =	sld [smem:$0x3FB1]  }
0x2d: {  	s3 =	simm.s32 $0x108;
	s8 =	sld [smem:$0x3FB2]  }
0x2e: {  	s3 =	simm.s32 @!p0 $0x1082;
	s9 =	sld [smem:$0x3FB3]  }
0x2f: {  	lr =	sadd.s32 s0, s3;
	s0 =	sld [smem:$0x3FAA]  }
0x30: {  	s3 =	sld [smem:$0x3FAD]  }
0x31: {  	[smem:$0x3FB6] =	sst s10  }
0x32: {  	s10 =	sld [smem:$0x3FB4];
	_ =	sdelay $0x3  }
0x33: {  	p0 =	seq.s32 s10, $0x1;
	s10 =	sld [smem:$0x3FB6];
	_ =	sdelay $0x3  }
0x34: {  	[smem:$0x3FB6] =	sst s10  }
0x35: {  	s10 =	sld [smem:$0x3FB5];
	_ =	sdelay $0x3  }
0x36: {  	p1 =	seq.s32 s10, $0x1;
	s10 =	sld [smem:$0x3FB6];
	_ =	sdelay $0x3  }
0x37: {  	[smem:$0x3FB6] =	sst s10  }
0x38: {  	s10 =	sld [smem:$0x3FB7]  }
0x39: {  	_ = 	snop;
	(pc) =	sbr.ind lr, $3  }
0x3a: {  	_ = 	snop  }
0x3b: {  	_ = 	snop  }
0x3c: {  	p2 =	seq.s32 s10, $0x1;
	s10 =	sld [smem:$0x3FB6]  }
0x3d: {  	_ =	shalt  }
0x3e: {  	_ =	shalt  }
0x3f: {  	_ =	shalt  }
0x40: {  	_ =	shalt  }
0x41: {  	_ =	shalt  }
0x42: {  	_ =	shalt  }
0x43: {  	_ =	shalt  }
0x44: {  	_ =	shalt  }
0x45: {  	_ =	shalt  }
0x46: {  	_ =	shalt  }
0x47: {  	_ =	shalt  }
0x48: {  	_ =	shalt  }
0x49: {  	_ =	shalt  }
0x4a: {  	_ =	shalt  }
0x4b: {  	_ =	shalt  }
0x4c: {  	_ =	shalt  }
0x4d: {  	_ =	shalt  }
0x4e: {  	_ =	shalt  }
0x4f: {  	_ =	shalt  }
0x50: {  	_ =	shalt  }
0x51: {  	_ =	shalt  }
0x52: {  	_ =	shalt  }
0x53: {  	_ =	shalt  }
0x54: {  	_ =	shalt  }
0x55: {  	_ =	shalt  }
0x56: {  	_ =	shalt  }
0x57: {  	_ =	shalt  }
0x58: {  	_ =	shalt  }
0x59: {  	_ =	shalt  }
0x5a: {  	_ =	shalt  }
0x5b: {  	_ =	shalt  }
0x5c: {  	_ =	shalt  }
0x5d: {  	_ =	shalt  }
0x5e: {  	_ =	shalt  }
0x5f: {  	_ =	shalt  }
0x60: {  	_ =	shalt  }
0x61: {  	_ =	shalt  }
0x62: {  	_ =	shalt  }
0x63: {  	_ =	shalt  }
0x64: {  	_ =	shalt  }
0x65: {  	_ =	shalt  }
0x66: {  	_ =	shalt  }
0x67: {  	_ =	shalt  }
0x68: {  	_ =	shalt  }
0x69: {  	_ =	shalt  }
0x6a: {  	_ =	shalt  }
0x6b: {  	_ =	shalt  }
0x6c: {  	_ =	shalt  }
0x6d: {  	_ =	shalt  }
0x6e: {  	_ =	shalt  }
0x6f: {  	_ =	shalt  }
0x70: {  	_ =	shalt  }
0x71: {  	_ =	shalt  }
0x72: {  	_ =	shalt  }
0x73: {  	_ =	shalt  }
0x74: {  	_ =	shalt  }
0x75: {  	_ =	shalt  }
0x76: {  	_ =	shalt  }
0x77: {  	_ =	shalt  }
0x78: {  	_ =	shalt  }
0x79: {  	_ =	shalt  }
0x7a: {  	_ =	shalt  }
0x7b: {  	_ =	shalt  }
0x7c: {  	_ =	shalt  }
0x7d: {  	_ =	shalt  }
0x7e: {  	_ =	shalt  }
0x7f: {  	_ =	shalt  }
0x80: {  	_ =	shalt  }
0x81: {  	_ =	shalt  }
0x82: {  	_ =	shalt  }
0x83: {  	_ =	shalt  }
0x84: {  	_ =	shalt  }
0x85: {  	_ =	shalt  }
0x86: {  	_ =	shalt  }
0x87: {  	_ =	shalt  }
.Lfunc_end0:
.L_simem_size_0:
called_computation.1_lowered:
.L_overlay_start_0:
0x88: {  	s2 =	sld [smem:$0x3FD9]  }
0x89: {  	s3 =	sld [smem:$0x3FFE];
	_ =	sdelay $0x1  }
0x8a: {  	s1 =	srdreg.scid  }
0x8b: {  	s0 =	sand.u32 $0x1, s1  }
0x8c: {  	s17 =	sshll.u32 s0, $0xA;
	s2 =	sadd.s32 s3, s2  }
0x8d: {  	s2 =	sadd.s32 s2, s17  }
0x8e: {  	[smem:$0x3FC2] =	sst s2  }
0x8f: {  	_ = 	snop  }
0x90: {  	s2 =	sld [smem:$0x3FD0];
	(tm) =	ssettm $0x1  }
0x91: {  	s18 =	sld [smem:$0x3FFB];
	_ =	sdelay $0x3  }
0x92: {  	_ =	strace s18  }
0x93: {  	s3 =	sld [smem:$0x3FFC];
	_ =	sdelay $0x3  }
0x94: {  	_ =	strace s3  }
0x95: {  	s3 =	sld [smem:$0x3FFD];
	_ =	sdelay $0x3  }
0x96: {  	_ =	strace s3  }
0x97: {  	_ =	strace $0x8FFFFFFF  }
0x98: {  	s19 =	sld [smem:$0x3FDB];
	_ =	sdelay $0x1  }
0x99: {  	s4 =	simm.s32 $_scs_section_size  }
0x9a: {  	s5 =	simm.s32 $_size__tile_overlayer_lowered;
	s6 =	simm.s32 $_tile_overlayer_lowered  }
0x9b: {  	s22 =	simm.s32 $0x1BFF;
	s21 =	sshll.u32 s6, $0x1;
	s3 =	sadd.s32 s4, s19  }
0x9c: {  	s7 =	simm.s32 $0x0;
	s20 =	sshll.u32 s5, $0x1;
	s5 =	sadd.s32 s21, s3  }
0x9d: {  	[timem:s7], [sflag:s22] =	dma.local [hbm:s5], s20  }
0x9e: {  	_ =	swait.ge [sflag:s22], s20  }
0x9f: {  	s4 =	ssub.s32 $0x0, s20;
	[sflag:s22] =	ssyncset.done $0x0  }
0xa0: {  	[sflag:s22] =	ssyncadd.s32 s4;
	_ =	sdelay $0x1  }
0xa1: {  	s23 =	simm.s32 $0x1B8B  }
0xa2: {  	_ =	swait.ge [sflag:s23], $0x1  }
0xa3: {  	[sflag:s23] =	ssyncset.done $0x0  }
0xa4: {  	s25 =	simm.s32 $0x1B8E;
	s24 =	sld [smem:$0x3FFE];
	[sflag:s23] =	ssyncadd.s32 $0xFFFFFFFF  }
0xa5: {  	s26 =	simm.s32 $execute0_lowered;
	[smem:$0x3FD2] =	sst s25  }
0xa6: {  	s5 =	sshll.u32 s26, $0x1;
	_ =	strace $0x80000049;
	[dreg:$0x1] =	wrdreg $0xFFFFFFFF  }
0xa7: {  	s28 =	simm.s32 $_size_execute0_lowered;
	s3 =	sadd.s32 s3, s5;
	[dreg:$0x0] =	wrdreg $0x0  }
0xa8: {  	s5 =	sshll.u32 s28, $0x1;
	[dreg:$0x2] =	wrdreg s3  }
0xa9: {  	[dreg:$0x3] =	wrdreg s5  }
0xaa: {  	[dreg:$0x4] =	wrdreg $0xC0  }
0xab: {  	_ =	task [dreg:s7], $0x5FFFF  }
0xac: {  	[dreg:$0x1] =	wrdreg $0xFFFFFFFF  }
0xad: {  	[dreg:$0x0] =	wrdreg $0x60  }
0xae: {  	[dreg:$0x2] =	wrdreg s24  }
0xaf: {  	[dreg:$0x3] =	wrdreg s2  }
0xb0: {  	[dreg:$0x4] =	wrdreg $0x0  }
0xb1: {  	[dreg:$0x5] =	wrdreg $0x9  }
0xb2: {  	_ =	task.clear_ibuf [dreg:s7], $0x6FFFF;
	_ =	strace $0x90000049  }
0xb3: {  	s29 =	simm.s32 $0x9;
	_ =	strace $0x8000004B  }
0xb4: {  	_ =	swait.ge [sflag:s29], $0x1  }
0xb5: {  	[sflag:s29] =	ssyncadd.s32 $0xFFFFFFFF  }
0xb6: {  	_ =	strace $0x9000004B  }
0xb7: {  	_ =	sfence  }
0xb8: {  	s30 =	sld [smem:$0x0];
	_ =	sdelay $0x2  }
0xb9: {  	s31 =	sshll.u32 s1, $0xD;
	s1 =	sshrl.u32 s1, $0x2  }
0xba: {  	s3 =	sand.u32 $0x4000, s31;
	s1 =	sadd.s32 s1, s30  }
0xbb: {  	s0 =	sor.u32 s3, s0;
	s1 =	sshll.u32 s1, $0x11  }
0xbc: {  	s0 =	sor.u32 s1, s0  }
0xbd: {  	s0 =	sadd.s32 $0x8F2B, s0  }
0xbe: {  	[sflag:s0] =	ssyncadd.remote.s32 $0x1  }
0xbf: {  	_ =	sfence.sel $0xFFFF  }
0xc0: {  	[dreg:$0x0] =	wrdreg $0xFFFFFFFF;
	(pc) =	sbr.abs _section_cstart, $3  }
0xc1: {  	[dreg:$0x1] =	wrdreg $0xFFFFFFFF  }
0xc2: {  	_ =	task.clear_ibuf [dreg:s7], $0x2FFFF;
	_ =	strace $0x9FFFFFFF  }
0xc3: {  	(tm) =	ssettm $0x7FFFFFFF  }
tec
execute0_lowered:
.L_overlay_start_1:
0x0: {  	(tag) =	ssettag $0x1  }
0x1: {  	s5 =	rddreg [dreg:$0x0]  }
0x2: {  	s10 =	rddreg [dreg:$0x1]  }
0x3: {  	s0 =	srdreg.scid;
	s2 =	rddreg [dreg:$0x2]  }
0x4: {  	s1 =	rddreg [dreg:$0x3];
	s3 =	simm.s32 $0x0;
	s6 =	sand.u32 $0x1, s0  }
0x5: {  	s15 =	simm.s32 $0x80;
	s0 =	stileid.u32;
	s4 =	smul.u32 $0x28000, s6  }
0x6: {  	s16 =	simm.s32 $0x14100;
	s17 =	simm.s32 $0x1;
	s7 =	smul.u32 $0x2800, s0  }
0x7: {  	s18 =	simm.s32 $0x2;
	s19 =	simm.s32 $0x0;
	s8 =	smul.u32 $0x14000, s0  }
0x8: {  	[smem:$0x7FF] =	sst s3;
	s29 =	smul.u32 $0x140000, s6;
	s6 =	ssub.s32 $0x2, s6  }
0x9: {  	_ =	strace $0x8000004A;
	s31 =	sshll.u32 s0, $0x6;
	s30 =	sshrl.u32 s6, $0x1  }
0xa: {  	s4 =	sadd.s32 s7, s4;
	s7 =	sadd.s32 s8, s29;
	s12 =	sshrl.u32 s8, $0x3  }
0xb: {  	s13 =	ssub.s32 s6, s30;
	s14 =	sadd.s32 s8, s2;
	s6 =	sor.u32 $0x1C03, s31  }
0xc: {  	s11 =	sshrl.u32 s4, $0x3;
	s4 =	sadd.s32 $0xCA00, s5;
	s7 =	sshrl.u32 s7, $0x3  }
0xd: {  	s12 =	sadd.s32 s12, s5;
	s8 =	smax.u32 s13, $0x1;
	s13 =	simm.s32 $0x14000  }
0xe: {  	s9 =	sadd.s32 s11, s5;
	s7 =	sadd.s32 s7, s5;
	s5 =	sadd.s32 $0x34A00, s12  }
0xf: {  	s10 =	sadd.s32 s11, s10;
	s11 =	sshrl.u32 s14, $0x3;
	s12 =	simm.s32 $0x3  }
0x10: {  	s14 =	simm.s32 $0x14080;
	s7 =	sadd.s32 $0x5CA00, s7;
	s9 =	sadd.s32 $0x2A00, s9  }
.LBB2_1:
0x11: {  	[spmem:s11], [sflag:s6] =	dma.local [hbm:s5], $0x2800  }
0x12: {  	_ =	swait.ge [sflag:s12], $0x2800  }
0x13: {  	[sflag:s12] =	ssyncset.done $0x0  }
0x14: {  	[sflag:s12] =	ssyncadd.s32 $0xFFFFD800  }
0x15: {  	s20 =	sadd.s32 $0x0, s10;
	[bflag:$0x0] =	sbarrier.arrive $0xFFFF  }
0x16: {  	[tilespmem:s13], [sflag:$0x3] =	stream.linear.gather [hbm4b:s20+s3], $0x80, $0x38;
	[tilespmem:$0x18100] =	vst v63  }
0x17: {  	_ =	swait.ge [sflag:s12], $0x80  }
0x18: {  	[sflag:s12] =	ssyncset.done $0x0  }
0x19: {  	s31 =	sadd.s32 $0x0, s9;
	[sflag:s12] =	ssyncadd.s32 $0xFFFFFF80  }
0x1a: {  	[tilespmem:s14], [sflag:$0x3] =	stream.linear.gather [hbm4b:s31+s3], $0x80, $0x38;
	[tilespmem:$0x18100] =	vst v63  }
0x1b: {  	_ =	swait.ge [sflag:s12], $0x80  }
0x1c: {  	[sflag:s12] =	ssyncset.done $0x0  }
0x1d: {  	[sflag:s12] =	ssyncadd.s32 $0xFFFFFF80  }
0x1e: {  	[tilespmem:s16], [sflag:$0x1] =	stream.indirect.gather [hbm4b:s4+s15], $0x80, s13, s15, $0xb8;
	[tilespmem:$0x18100] =	vst v63  }
0x1f: {  	_ =	swait.ge [sflag:s17], $0x4000  }
0x20: {  	[sflag:s17] =	ssyncset.done $0x0  }
0x21: {  	[sflag:s17] =	ssyncadd.s32 $0xFFFFC000  }
0x22: {  	[spmem:s2] =	stream.indirect.scatter.add.f32 [tilespmem:s16], [sflag:$0x2], $0x80, s14, s15, $0xb8;
	[tilespmem:$0x18100] =	vst v63  }
0x23: {  	_ =	swait.ge [sflag:s18], $0x4000  }
0x24: {  	s21 =	simm.s32 $0x20;
	s20 =	simm.s32 $0x10;
	[sflag:s18] =	ssyncset.done $0x0  }
.LBB2_2:
0x25: {  	s22 =	sadd.s32 s20, s10  }
0x26: {  	[sflag:s18] =	ssyncadd.s32 $0xFFFFC000;
	s23 =	smov.u32 s21;
	s24 =	sadd.s32 $0x10, s21  }
0x27: {  	[tilespmem:s13], [sflag:$0x3] =	stream.linear.gather [hbm4b:s22+s3], $0x80, $0x38;
	[tilespmem:$0x18100] =	vst v63  }
0x28: {  	p0 =	sne.s32 s21, $0x4F0;
	_ =	swait.ge [sflag:s12], $0x80  }
0x29: {  	[sflag:s12] =	ssyncset.done $0x0  }
0x2a: {  	s21 =	sadd.s32 s20, s9;
	s20 =	smov.u32 s23;
	[sflag:s12] =	ssyncadd.s32 $0xFFFFFF80  }
0x2b: {  	[tilespmem:s14], [sflag:$0x3] =	stream.linear.gather [hbm4b:s21+s3], $0x80, $0x38;
	[tilespmem:$0x18100] =	vst v63  }
0x2c: {  	_ =	swait.ge [sflag:s12], $0x80  }
0x2d: {  	[sflag:s12] =	ssyncset.done $0x0  }
0x2e: {  	[sflag:s12] =	ssyncadd.s32 $0xFFFFFF80  }
0x2f: {  	[tilespmem:s16], [sflag:$0x1] =	stream.indirect.gather [hbm4b:s4+s15], $0x80, s13, s15, $0xb8;
	[tilespmem:$0x18100] =	vst v63  }
0x30: {  	_ =	swait.ge [sflag:s17], $0x4000  }
.Ltmp0:
0x31: {  	[sflag:s17] =	ssyncset.done $0x0;
	(pc) =	sbr.rel @p0 .LBB2_2-.Ltmp0, $4  }
0x32: {  	[sflag:s17] =	ssyncadd.s32 $0xFFFFC000  }
0x33: {  	[spmem:s2] =	stream.indirect.scatter.add.f32 [tilespmem:s16], [sflag:$0x2], $0x80, s14, s15, $0xb8;
	[tilespmem:$0x18100] =	vst v63  }
0x34: {  	_ =	swait.ge [sflag:s18], $0x4000  }
0x35: {  	s21 =	smov.u32 s24;
	[sflag:s18] =	ssyncset.done $0x0  }
0x36: {  	s21 =	sadd.s32 s20, s10;
	[sflag:s18] =	ssyncadd.s32 $0xFFFFC000  }
0x37: {  	[tilespmem:s13], [sflag:$0x3] =	stream.linear.gather [hbm4b:s21+s3], $0x80, $0x38;
	[tilespmem:$0x18100] =	vst v63  }
0x38: {  	_ =	swait.ge [sflag:s12], $0x80  }
0x39: {  	[sflag:s12] =	ssyncset.done $0x0  }
0x3a: {  	s31 =	sadd.s32 s20, s9;
	[sflag:s12] =	ssyncadd.s32 $0xFFFFFF80  }
0x3b: {  	[tilespmem:s14], [sflag:$0x3] =	stream.linear.gather [hbm4b:s31+s3], $0x80, $0x38;
	[tilespmem:$0x18100] =	vst v63  }
0x3c: {  	_ =	swait.ge [sflag:s12], $0x80  }
0x3d: {  	[sflag:s12] =	ssyncset.done $0x0  }
0x3e: {  	[sflag:s12] =	ssyncadd.s32 $0xFFFFFF80  }
0x3f: {  	[tilespmem:s16], [sflag:$0x1] =	stream.indirect.gather [hbm4b:s4+s15], $0x80, s13, s15, $0xb8;
	[tilespmem:$0x18100] =	vst v63  }
0x40: {  	_ =	swait.ge [sflag:s17], $0x4000  }
0x41: {  	[sflag:s17] =	ssyncset.done $0x0  }
0x42: {  	[sflag:s17] =	ssyncadd.s32 $0xFFFFC000  }
0x43: {  	[spmem:s2] =	stream.indirect.scatter.add.f32 [tilespmem:s16], [sflag:$0x2], $0x80, s14, s15, $0xb8;
	[tilespmem:$0x18100] =	vst v63  }
0x44: {  	_ =	swait.ge [sflag:s18], $0x4000  }
0x45: {  	s19 =	sadd.s32 $0x1, s19;
	[sflag:s18] =	ssyncset.done $0x0  }
0x46: {  	p0 =	sne.s32 s19, s8;
	[sflag:s18] =	ssyncadd.s32 $0xFFFFC000  }
.Ltmp1:
0x47: {  	[bflag:$0x0] =	sbarrier.arrive $0xFFFF;
	(pc) =	sbr.rel @p0 .LBB2_1-.Ltmp1, $4  }
0x48: {  	[hbm:s7], [sflag:s6] =	dma.local [spmem:s11], $0x2800  }
0x49: {  	_ =	swait.ge [sflag:s12], $0x2800  }
0x4a: {  	[sflag:s12] =	ssyncset.done $0x0  }
0x4b: {  	[sflag:s12] =	ssyncadd.s32 $0xFFFFD800  }
0x4c: {  	_ =	sfence.sel $0x180000  }
0x4d: {  	[bflag:$0x0] =	sbarrier.arrive $0xFFFF  }
0x4e: {  	p0 =	sne.s32 s0, $0x0;
	_ =	strace $0x9000004A  }
0x4f: {  	s0 =	sadd.s32 @!p0 $0x100000, s1;
	[bflag:$0x2] =	sbarrier.arrive $0xFFFF  }
0x50: {  	[sflag:s0] =	ssyncadd.tile.s32 @!p0 $0x1;
	_ =	shalt  }
.Lfunc_end2:
_tile_overlayer_lowered:
.L_overlay_start_2:
0x51: {  	(tag) =	ssettag $0x2  }
0x52: {  	s0 =	rddreg [dreg:$0x0];
	s2 =	stileid.u32  }
0x53: {  	s1 =	rddreg [dreg:$0x1];
	p0 =	sne.s32 s2, $0x0  }
0x54: {  	s3 =	rddreg [dreg:$0x2];
	[bflag:$0x3] =	sbarrier.arrive $0xFFFF;
	s2 =	simm.s32 @!p0 $0x1C03  }
0x55: {  	[timem:s3], [sflag:s2] =	dma.local @!p0 [hbm:s0], s1  }
0x56: {  	s0 =	simm.s32 @!p0 $0x3  }
0x57: {  	_ =	swait.ge @!p0 [sflag:s0], s1  }
0x58: {  	s1 =	ssub.s32 @!p0 $0x0, s1;
	[sflag:s0] =	ssyncset.done @!p0 $0x0  }
0x59: {  	[sflag:s0] =	ssyncadd.s32 @!p0 s1  }
0x5a: {  	[bflag:$0x3] =	sbarrier.arrive $0xFFFF  }
0x5b: {  	_ =	shalt  }

// kernel: kernel.14.cloned.1.call-start
scs
__scs_entry_jumppad:
0x0: {  	(pc) =	sbr.rel $0x88, $3  }
0x1: {  	(tag) =	ssettag $0x0;
	lr =	simm.s32 $0x1  }
0x2: {  	[smem:$0x3F9B] =	sst lr;
	_ =	strace $0xD0000000  }
0x3: {  	_ = 	snop  }
0x4: {  	_ = 	snop  }
0x5: {  	_ = 	snop  }
0x6: {  	_ = 	snop  }
0x7: {  	_ = 	snop  }
__scs_overlays_trampoline_lowered:
0x8: {  	[smem:$0x3FAA] =	sst s0  }
0x9: {  	[smem:$0x3FAB] =	sst s1  }
0xa: {  	[smem:$0x3FAC] =	sst s2  }
0xb: {  	[smem:$0x3FAD] =	sst s3  }
0xc: {  	[smem:$0x3FAE] =	sst s4  }
0xd: {  	[smem:$0x3FAF] =	sst s5  }
0xe: {  	[smem:$0x3FB0] =	sst s6  }
0xf: {  	[smem:$0x3FB1] =	sst s7  }
0x10: {  	[smem:$0x3FB2] =	sst s8  }
0x11: {  	[smem:$0x3FB3] =	sst s9;
	s0 =	simm.s32 @!p0 $0x0  }
0x12: {  	s1 =	sld [smem:$0x3F99];
	s0 =	simm.s32 @p0 $0x1  }
0x13: {  	[smem:$0x3FB4] =	sst s0;
	s0 =	simm.s32 @!p1 $0x0  }
0x14: {  	s2 =	sld [smem:$0x3F98];
	s0 =	simm.s32 @p1 $0x1  }
0x15: {  	[smem:$0x3FB5] =	sst s0;
	s0 =	simm.s32 @!p2 $0x0  }
0x16: {  	s3 =	sld [smem:$0x3FDB];
	s0 =	simm.s32 @p2 $0x1  }
0x17: {  	s4 =	simm.s32 $0x1BF5;
	[smem:$0x3FB7] =	sst s0  }
0x18: {  	s0 =	sld [smem:$0x3F9A];
	_ =	swait.ge [sflag:s4], $0x0  }
0x19: {  	s7 =	sld [smem:$0x3F9B]  }
0x1a: {  	s8 =	sadd.s32 $0xFFFFE003, lr  }
0x1b: {  	s9 =	sadd.s32 $0xFFFFFEF7, lr;
	s5 =	simm.s32 $0xFFFFFFFF;
	p2 =	slt.u32 s8, $0xFFFFF086  }
0x1c: {  	p1 =	slt.u32 s9, $0xF7A;
	s5 =	simm.s32 @!p2 $0x0  }
0x1d: {  	s5 =	simm.s32 @p1 $0x1;
	p0 =	seq.s32 s7, s2  }
0x1e: {  	s7 =	smul.u32 @!p0 $0xF7A, s2;
	p2 =	seq.s32 @!p0 s5, $0x0  }
0x1f: {  	s9 =	smul.u32 $0xF7A, s1;
	s8 =	simm.s32 @!p0 $0x1BF5;
	p2 =	por !p2, p0  }
0x20: {  	[sflag:s8] =	ssyncset.s32 @!p0 $0xFFFFF086;
	s6 =	sadd.s32 @!p0 s3, s7;
	s7 =	simm.s32 @!p0 $0x108  }
0x21: {  	s3 =	sadd.s32 s3, s9;
	s6 =	sadd.s32 @!p0 $0x88, s6;
	s7 =	simm.s32 @p2 $0x1082  }
0x22: {  	[simem:s7], [sflag:s8] =	dma.local @!p0 [hbm:s6], $0xF7A  }
0x23: {  	s9 =	sor.u32 $0xD0000000, s2;
	s6 =	simm.s32 $0x108;
	_ =	swait.ge @!p0 [sflag:s8], $0x0  }
0x24: {  	s3 =	sadd.s32 $0x88, s3;
	s6 =	simm.s32 @!p1 $0x1082;
	[sflag:s4] =	ssyncset.s32 $0xFFFFF086  }
0x25: {  	[simem:s6], [sflag:s4] =	dma.local [hbm:s3], $0xF7A  }
0x26: {  	[smem:$0x3F9B] =	sst s1;
	(tag) =	ssettag s2;
	_ =	strace s9  }
0x27: {  	s1 =	sld [smem:$0x3FAB]  }
0x28: {  	s2 =	sld [smem:$0x3FAC]  }
0x29: {  	s4 =	sld [smem:$0x3FAE]  }
0x2a: {  	p0 =	seq.s32 s5, $0x0;
	s5 =	sld [smem:$0x3FAF]  }
0x2b: {  	s6 =	sld [smem:$0x3FB0]  }
0x2c: {  	s7 =	sld [smem:$0x3FB1]  }
0x2d: {  	s3 =	simm.s32 $0x108;
	s8 =	sld [smem:$0x3FB2]  }
0x2e: {  	s3 =	simm.s32 @!p0 $0x1082;
	s9 =	sld [smem:$0x3FB3]  }
0x2f: {  	lr =	sadd.s32 s0, s3;
	s0 =	sld [smem:$0x3FAA]  }
0x30: {  	s3 =	sld [smem:$0x3FAD]  }
0x31: {  	[smem:$0x3FB6] =	sst s10  }
0x32: {  	s10 =	sld [smem:$0x3FB4];
	_ =	sdelay $0x3  }
0x33: {  	p0 =	seq.s32 s10, $0x1;
	s10 =	sld [smem:$0x3FB6];
	_ =	sdelay $0x3  }
0x34: {  	[smem:$0x3FB6] =	sst s10  }
0x35: {  	s10 =	sld [smem:$0x3FB5];
	_ =	sdelay $0x3  }
0x36: {  	p1 =	seq.s32 s10, $0x1;
	s10 =	sld [smem:$0x3FB6];
	_ =	sdelay $0x3  }
0x37: {  	[smem:$0x3FB6] =	sst s10  }
0x38: {  	s10 =	sld [smem:$0x3FB7]  }
0x39: {  	_ = 	snop;
	(pc) =	sbr.ind lr, $3  }
0x3a: {  	_ = 	snop  }
0x3b: {  	_ = 	snop  }
0x3c: {  	p2 =	seq.s32 s10, $0x1;
	s10 =	sld [smem:$0x3FB6]  }
0x3d: {  	_ =	shalt  }
0x3e: {  	_ =	shalt  }
0x3f: {  	_ =	shalt  }
0x40: {  	_ =	shalt  }
0x41: {  	_ =	shalt  }
0x42: {  	_ =	shalt  }
0x43: {  	_ =	shalt  }
0x44: {  	_ =	shalt  }
0x45: {  	_ =	shalt  }
0x46: {  	_ =	shalt  }
0x47: {  	_ =	shalt  }
0x48: {  	_ =	shalt  }
0x49: {  	_ =	shalt  }
0x4a: {  	_ =	shalt  }
0x4b: {  	_ =	shalt  }
0x4c: {  	_ =	shalt  }
0x4d: {  	_ =	shalt  }
0x4e: {  	_ =	shalt  }
0x4f: {  	_ =	shalt  }
0x50: {  	_ =	shalt  }
0x51: {  	_ =	shalt  }
0x52: {  	_ =	shalt  }
0x53: {  	_ =	shalt  }
0x54: {  	_ =	shalt  }
0x55: {  	_ =	shalt  }
0x56: {  	_ =	shalt  }
0x57: {  	_ =	shalt  }
0x58: {  	_ =	shalt  }
0x59: {  	_ =	shalt  }
0x5a: {  	_ =	shalt  }
0x5b: {  	_ =	shalt  }
0x5c: {  	_ =	shalt  }
0x5d: {  	_ =	shalt  }
0x5e: {  	_ =	shalt  }
0x5f: {  	_ =	shalt  }
0x60: {  	_ =	shalt  }
0x61: {  	_ =	shalt  }
0x62: {  	_ =	shalt  }
0x63: {  	_ =	shalt  }
0x64: {  	_ =	shalt  }
0x65: {  	_ =	shalt  }
0x66: {  	_ =	shalt  }
0x67: {  	_ =	shalt  }
0x68: {  	_ =	shalt  }
0x69: {  	_ =	shalt  }
0x6a: {  	_ =	shalt  }
0x6b: {  	_ =	shalt  }
0x6c: {  	_ =	shalt  }
0x6d: {  	_ =	shalt  }
0x6e: {  	_ =	shalt  }
0x6f: {  	_ =	shalt  }
0x70: {  	_ =	shalt  }
0x71: {  	_ =	shalt  }
0x72: {  	_ =	shalt  }
0x73: {  	_ =	shalt  }
0x74: {  	_ =	shalt  }
0x75: {  	_ =	shalt  }
0x76: {  	_ =	shalt  }
0x77: {  	_ =	shalt  }
0x78: {  	_ =	shalt  }
0x79: {  	_ =	shalt  }
0x7a: {  	_ =	shalt  }
0x7b: {  	_ =	shalt  }
0x7c: {  	_ =	shalt  }
0x7d: {  	_ =	shalt  }
0x7e: {  	_ =	shalt  }
0x7f: {  	_ =	shalt  }
0x80: {  	_ =	shalt  }
0x81: {  	_ =	shalt  }
0x82: {  	_ =	shalt  }
0x83: {  	_ =	shalt  }
0x84: {  	_ =	shalt  }
0x85: {  	_ =	shalt  }
0x86: {  	_ =	shalt  }
0x87: {  	_ =	shalt  }
.Lfunc_end0:
.L_simem_size_0:
called_computation.2_lowered:
.L_overlay_start_0:
0x88: {  	s2 =	sld [smem:$0x3FD9]  }
0x89: {  	s3 =	sld [smem:$0x3FFE];
	_ =	sdelay $0x1  }
0x8a: {  	s1 =	srdreg.scid  }
0x8b: {  	s0 =	sand.u32 $0x1, s1  }
0x8c: {  	s17 =	sshll.u32 s0, $0xA;
	s2 =	sadd.s32 s3, s2  }
0x8d: {  	s2 =	sadd.s32 s2, s17  }
0x8e: {  	[smem:$0x3FC2] =	sst s2  }
0x8f: {  	_ = 	snop  }
0x90: {  	s2 =	sld [smem:$0x3FD0];
	(tm) =	ssettm $0x1  }
0x91: {  	s18 =	sld [smem:$0x3FFB];
	_ =	sdelay $0x3  }
0x92: {  	_ =	strace s18  }
0x93: {  	s3 =	sld [smem:$0x3FFC];
	_ =	sdelay $0x3  }
0x94: {  	_ =	strace s3  }
0x95: {  	s3 =	sld [smem:$0x3FFD];
	_ =	sdelay $0x3  }
0x96: {  	_ =	strace s3  }
0x97: {  	_ =	strace $0x8FFFFFFF  }
0x98: {  	s19 =	sld [smem:$0x3FDB];
	_ =	sdelay $0x1  }
0x99: {  	s4 =	simm.s32 $_scs_section_size  }
0x9a: {  	s5 =	simm.s32 $_size__tile_overlayer_lowered;
	s6 =	simm.s32 $_tile_overlayer_lowered  }
0x9b: {  	s22 =	simm.s32 $0x1BFF;
	s21 =	sshll.u32 s6, $0x1;
	s3 =	sadd.s32 s4, s19  }
0x9c: {  	s7 =	simm.s32 $0x0;
	s20 =	sshll.u32 s5, $0x1;
	s5 =	sadd.s32 s21, s3  }
0x9d: {  	[timem:s7], [sflag:s22] =	dma.local [hbm:s5], s20  }
0x9e: {  	_ =	swait.ge [sflag:s22], s20  }
0x9f: {  	s4 =	ssub.s32 $0x0, s20;
	[sflag:s22] =	ssyncset.done $0x0  }
0xa0: {  	[sflag:s22] =	ssyncadd.s32 s4;
	_ =	sdelay $0x1  }
0xa1: {  	s23 =	simm.s32 $0x1B8B  }
0xa2: {  	_ =	swait.ge [sflag:s23], $0x1  }
0xa3: {  	[sflag:s23] =	ssyncset.done $0x0  }
0xa4: {  	s25 =	simm.s32 $0x1B8E;
	s24 =	sld [smem:$0x3FFE];
	[sflag:s23] =	ssyncadd.s32 $0xFFFFFFFF  }
0xa5: {  	s26 =	simm.s32 $execute0_lowered;
	[smem:$0x3FD2] =	sst s25  }
0xa6: {  	s5 =	sshll.u32 s26, $0x1;
	_ =	strace $0x8000004C;
	[dreg:$0x1] =	wrdreg $0xFFFFFFFF  }
0xa7: {  	s28 =	simm.s32 $_size_execute0_lowered;
	s3 =	sadd.s32 s3, s5;
	[dreg:$0x0] =	wrdreg $0x0  }
0xa8: {  	s5 =	sshll.u32 s28, $0x1;
	[dreg:$0x2] =	wrdreg s3  }
0xa9: {  	[dreg:$0x3] =	wrdreg s5  }
0xaa: {  	[dreg:$0x4] =	wrdreg $0xC0  }
0xab: {  	_ =	task [dreg:s7], $0x5FFFF  }
0xac: {  	[dreg:$0x1] =	wrdreg $0xFFFFFFFF  }
0xad: {  	[dreg:$0x0] =	wrdreg $0x60  }
0xae: {  	[dreg:$0x2] =	wrdreg s24  }
0xaf: {  	[dreg:$0x3] =	wrdreg s2  }
0xb0: {  	[dreg:$0x4] =	wrdreg $0x0  }
0xb1: {  	[dreg:$0x5] =	wrdreg $0x9  }
0xb2: {  	_ =	task.clear_ibuf [dreg:s7], $0x6FFFF;
	_ =	strace $0x9000004C  }
0xb3: {  	s29 =	simm.s32 $0x9;
	_ =	strace $0x8000004E  }
0xb4: {  	_ =	swait.ge [sflag:s29], $0x1  }
0xb5: {  	[sflag:s29] =	ssyncadd.s32 $0xFFFFFFFF  }
0xb6: {  	_ =	strace $0x9000004E  }
0xb7: {  	_ =	sfence  }
0xb8: {  	s30 =	sld [smem:$0x0];
	_ =	sdelay $0x2  }
0xb9: {  	s31 =	sshll.u32 s1, $0xD;
	s1 =	sshrl.u32 s1, $0x2  }
0xba: {  	s3 =	sand.u32 $0x4000, s31;
	s1 =	sadd.s32 s1, s30  }
0xbb: {  	s0 =	sor.u32 s3, s0;
	s1 =	sshll.u32 s1, $0x11  }
0xbc: {  	s0 =	sor.u32 s1, s0  }
0xbd: {  	s0 =	sadd.s32 $0x8F2B, s0  }
0xbe: {  	[sflag:s0] =	ssyncadd.remote.s32 $0x1  }
0xbf: {  	_ =	sfence.sel $0xFFFF  }
0xc0: {  	[dreg:$0x0] =	wrdreg $0xFFFFFFFF;
	(pc) =	sbr.abs _section_cstart, $3  }
0xc1: {  	[dreg:$0x1] =	wrdreg $0xFFFFFFFF  }
0xc2: {  	_ =	task.clear_ibuf [dreg:s7], $0x2FFFF;
	_ =	strace $0x9FFFFFFF  }
0xc3: {  	(tm) =	ssettm $0x7FFFFFFF  }
tec
execute0_lowered:
.L_overlay_start_1:
0x0: {  	(tag) =	ssettag $0x1  }
0x1: {  	s5 =	rddreg [dreg:$0x0]  }
0x2: {  	s10 =	rddreg [dreg:$0x1]  }
0x3: {  	s0 =	srdreg.scid;
	s2 =	rddreg [dreg:$0x2]  }
0x4: {  	s1 =	rddreg [dreg:$0x3];
	s3 =	simm.s32 $0x0;
	s6 =	sand.u32 $0x1, s0  }
0x5: {  	s15 =	simm.s32 $0x80;
	s0 =	stileid.u32;
	s4 =	smul.u32 $0x28000, s6  }
0x6: {  	s16 =	simm.s32 $0xA100;
	s17 =	simm.s32 $0x1;
	s7 =	smul.u32 $0x2800, s0  }
0x7: {  	s18 =	simm.s32 $0x2;
	s19 =	simm.s32 $0x0;
	s8 =	smul.u32 $0xA000, s0  }
0x8: {  	[smem:$0x7FF] =	sst s3;
	s29 =	smul.u32 $0xA0000, s6;
	s6 =	ssub.s32 $0x2, s6  }
0x9: {  	_ =	strace $0x8000004D;
	s31 =	sshll.u32 s0, $0x6;
	s30 =	sshrl.u32 s6, $0x1  }
0xa: {  	s4 =	sadd.s32 s7, s4;
	s7 =	sadd.s32 s8, s29;
	s12 =	sshrl.u32 s8, $0x3  }
0xb: {  	s13 =	ssub.s32 s6, s30;
	s14 =	sadd.s32 s8, s2;
	s6 =	sor.u32 $0x1C03, s31  }
0xc: {  	s11 =	sshrl.u32 s4, $0x3;
	s4 =	sadd.s32 $0xCA00, s5;
	s7 =	sshrl.u32 s7, $0x3  }
0xd: {  	s12 =	sadd.s32 s12, s5;
	s8 =	smax.u32 s13, $0x1;
	s13 =	simm.s32 $0xA000  }
0xe: {  	s9 =	sadd.s32 s11, s5;
	s7 =	sadd.s32 s7, s5;
	s5 =	sadd.s32 $0x20A00, s12  }
0xf: {  	s10 =	sadd.s32 s11, s10;
	s11 =	sshrl.u32 s14, $0x3;
	s12 =	simm.s32 $0x3  }
0x10: {  	s14 =	simm.s32 $0xA080;
	s7 =	sadd.s32 $0x34A00, s7;
	s9 =	sadd.s32 $0x2A00, s9  }
.LBB2_1:
0x11: {  	[spmem:s11], [sflag:s6] =	dma.local [hbm:s5], $0x1400  }
0x12: {  	_ =	swait.ge [sflag:s12], $0x1400  }
0x13: {  	[sflag:s12] =	ssyncset.done $0x0  }
0x14: {  	[sflag:s12] =	ssyncadd.s32 $0xFFFFEC00  }
0x15: {  	s20 =	sadd.s32 $0x0, s10;
	[bflag:$0x0] =	sbarrier.arrive $0xFFFF  }
0x16: {  	[tilespmem:s13], [sflag:$0x3] =	stream.linear.gather [hbm4b:s20+s3], $0x80, $0x38;
	[tilespmem:$0xC100] =	vst v63  }
0x17: {  	_ =	swait.ge [sflag:s12], $0x80  }
0x18: {  	[sflag:s12] =	ssyncset.done $0x0  }
0x19: {  	s31 =	sadd.s32 $0x0, s9;
	[sflag:s12] =	ssyncadd.s32 $0xFFFFFF80  }
0x1a: {  	[tilespmem:s14], [sflag:$0x3] =	stream.linear.gather [hbm4b:s31+s3], $0x80, $0x38;
	[tilespmem:$0xC100] =	vst v63  }
0x1b: {  	_ =	swait.ge [sflag:s12], $0x80  }
0x1c: {  	[sflag:s12] =	ssyncset.done $0x0  }
0x1d: {  	[sflag:s12] =	ssyncadd.s32 $0xFFFFFF80  }
0x1e: {  	[tilespmem:s16], [sflag:$0x1] =	stream.indirect.gather [hbm4b:s4+s15], $0x40, s13, s15, $0xb8;
	[tilespmem:$0xC100] =	vst v63  }
0x1f: {  	_ =	swait.ge [sflag:s17], $0x2000  }
0x20: {  	[sflag:s17] =	ssyncset.done $0x0  }
0x21: {  	[sflag:s17] =	ssyncadd.s32 $0xFFFFE000  }
0x22: {  	[spmem:s2] =	stream.indirect.scatter.add.f32 [tilespmem:s16], [sflag:$0x2], $0x40, s14, s15, $0xb8;
	[tilespmem:$0xC100] =	vst v63  }
0x23: {  	_ =	swait.ge [sflag:s18], $0x2000  }
0x24: {  	s21 =	simm.s32 $0x20;
	s20 =	simm.s32 $0x10;
	[sflag:s18] =	ssyncset.done $0x0  }
.LBB2_2:
0x25: {  	s22 =	sadd.s32 s20, s10  }
0x26: {  	[sflag:s18] =	ssyncadd.s32 $0xFFFFE000;
	s23 =	smov.u32 s21;
	s24 =	sadd.s32 $0x10, s21  }
0x27: {  	[tilespmem:s13], [sflag:$0x3] =	stream.linear.gather [hbm4b:s22+s3], $0x80, $0x38;
	[tilespmem:$0xC100] =	vst v63  }
0x28: {  	p0 =	sne.s32 s21, $0x4F0;
	_ =	swait.ge [sflag:s12], $0x80  }
0x29: {  	[sflag:s12] =	ssyncset.done $0x0  }
0x2a: {  	s21 =	sadd.s32 s20, s9;
	s20 =	smov.u32 s23;
	[sflag:s12] =	ssyncadd.s32 $0xFFFFFF80  }
0x2b: {  	[tilespmem:s14], [sflag:$0x3] =	stream.linear.gather [hbm4b:s21+s3], $0x80, $0x38;
	[tilespmem:$0xC100] =	vst v63  }
0x2c: {  	_ =	swait.ge [sflag:s12], $0x80  }
0x2d: {  	[sflag:s12] =	ssyncset.done $0x0  }
0x2e: {  	[sflag:s12] =	ssyncadd.s32 $0xFFFFFF80  }
0x2f: {  	[tilespmem:s16], [sflag:$0x1] =	stream.indirect.gather [hbm4b:s4+s15], $0x40, s13, s15, $0xb8;
	[tilespmem:$0xC100] =	vst v63  }
0x30: {  	_ =	swait.ge [sflag:s17], $0x2000  }
.Ltmp0:
0x31: {  	[sflag:s17] =	ssyncset.done $0x0;
	(pc) =	sbr.rel @p0 .LBB2_2-.Ltmp0, $4  }
0x32: {  	[sflag:s17] =	ssyncadd.s32 $0xFFFFE000  }
0x33: {  	[spmem:s2] =	stream.indirect.scatter.add.f32 [tilespmem:s16], [sflag:$0x2], $0x40, s14, s15, $0xb8;
	[tilespmem:$0xC100] =	vst v63  }
0x34: {  	_ =	swait.ge [sflag:s18], $0x2000  }
0x35: {  	s21 =	smov.u32 s24;
	[sflag:s18] =	ssyncset.done $0x0  }
0x36: {  	s21 =	sadd.s32 s20, s10;
	[sflag:s18] =	ssyncadd.s32 $0xFFFFE000  }
0x37: {  	[tilespmem:s13], [sflag:$0x3] =	stream.linear.gather [hbm4b:s21+s3], $0x80, $0x38;
	[tilespmem:$0xC100] =	vst v63  }
0x38: {  	_ =	swait.ge [sflag:s12], $0x80  }
0x39: {  	[sflag:s12] =	ssyncset.done $0x0  }
0x3a: {  	s31 =	sadd.s32 s20, s9;
	[sflag:s12] =	ssyncadd.s32 $0xFFFFFF80  }
0x3b: {  	[tilespmem:s14], [sflag:$0x3] =	stream.linear.gather [hbm4b:s31+s3], $0x80, $0x38;
	[tilespmem:$0xC100] =	vst v63  }
0x3c: {  	_ =	swait.ge [sflag:s12], $0x80  }
0x3d: {  	[sflag:s12] =	ssyncset.done $0x0  }
0x3e: {  	[sflag:s12] =	ssyncadd.s32 $0xFFFFFF80  }
0x3f: {  	[tilespmem:s16], [sflag:$0x1] =	stream.indirect.gather [hbm4b:s4+s15], $0x40, s13, s15, $0xb8;
	[tilespmem:$0xC100] =	vst v63  }
0x40: {  	_ =	swait.ge [sflag:s17], $0x2000  }
0x41: {  	[sflag:s17] =	ssyncset.done $0x0  }
0x42: {  	[sflag:s17] =	ssyncadd.s32 $0xFFFFE000  }
0x43: {  	[spmem:s2] =	stream.indirect.scatter.add.f32 [tilespmem:s16], [sflag:$0x2], $0x40, s14, s15, $0xb8;
	[tilespmem:$0xC100] =	vst v63  }
0x44: {  	_ =	swait.ge [sflag:s18], $0x2000  }
0x45: {  	s19 =	sadd.s32 $0x1, s19;
	[sflag:s18] =	ssyncset.done $0x0  }
0x46: {  	p0 =	sne.s32 s19, s8;
	[sflag:s18] =	ssyncadd.s32 $0xFFFFE000  }
.Ltmp1:
0x47: {  	[bflag:$0x0] =	sbarrier.arrive $0xFFFF;
	(pc) =	sbr.rel @p0 .LBB2_1-.Ltmp1, $4  }
0x48: {  	[hbm:s7], [sflag:s6] =	dma.local [spmem:s11], $0x1400  }
0x49: {  	_ =	swait.ge [sflag:s12], $0x1400  }
0x4a: {  	[sflag:s12] =	ssyncset.done $0x0  }
0x4b: {  	[sflag:s12] =	ssyncadd.s32 $0xFFFFEC00  }
0x4c: {  	_ =	sfence.sel $0x180000  }
0x4d: {  	[bflag:$0x0] =	sbarrier.arrive $0xFFFF  }
0x4e: {  	p0 =	sne.s32 s0, $0x0;
	_ =	strace $0x9000004D  }
0x4f: {  	s0 =	sadd.s32 @!p0 $0x100000, s1;
	[bflag:$0x2] =	sbarrier.arrive $0xFFFF  }
0x50: {  	[sflag:s0] =	ssyncadd.tile.s32 @!p0 $0x1;
	_ =	shalt  }
.Lfunc_end2:
_tile_overlayer_lowered:
.L_overlay_start_2:
0x51: {  	(tag) =	ssettag $0x2  }
0x52: {  	s0 =	rddreg [dreg:$0x0];
	s2 =	stileid.u32  }
0x53: {  	s1 =	rddreg [dreg:$0x1];
	p0 =	sne.s32 s2, $0x0  }
0x54: {  	s3 =	rddreg [dreg:$0x2];
	[bflag:$0x3] =	sbarrier.arrive $0xFFFF;
	s2 =	simm.s32 @!p0 $0x1C03  }
0x55: {  	[timem:s3], [sflag:s2] =	dma.local @!p0 [hbm:s0], s1  }
0x56: {  	s0 =	simm.s32 @!p0 $0x3  }
0x57: {  	_ =	swait.ge @!p0 [sflag:s0], s1  }
0x58: {  	s1 =	ssub.s32 @!p0 $0x0, s1;
	[sflag:s0] =	ssyncset.done @!p0 $0x0  }
0x59: {  	[sflag:s0] =	ssyncadd.s32 @!p0 s1  }
0x5a: {  	[bflag:$0x3] =	sbarrier.arrive $0xFFFF  }
0x5b: {  	_ =	shalt  }

// kernel: kernel.8.cloned.1.call-start
scs
__scs_entry_jumppad:
0x0: {  	(pc) =	sbr.rel $0x88, $3  }
0x1: {  	(tag) =	ssettag $0x0;
	lr =	simm.s32 $0x1  }
0x2: {  	[smem:$0x3F9B] =	sst lr;
	_ =	strace $0xD0000000  }
0x3: {  	_ = 	snop  }
0x4: {  	_ = 	snop  }
0x5: {  	_ = 	snop  }
0x6: {  	_ = 	snop  }
0x7: {  	_ = 	snop  }
__scs_overlays_trampoline_lowered:
0x8: {  	[smem:$0x3FAA] =	sst s0  }
0x9: {  	[smem:$0x3FAB] =	sst s1  }
0xa: {  	[smem:$0x3FAC] =	sst s2  }
0xb: {  	[smem:$0x3FAD] =	sst s3  }
0xc: {  	[smem:$0x3FAE] =	sst s4  }
0xd: {  	[smem:$0x3FAF] =	sst s5  }
0xe: {  	[smem:$0x3FB0] =	sst s6  }
0xf: {  	[smem:$0x3FB1] =	sst s7  }
0x10: {  	[smem:$0x3FB2] =	sst s8  }
0x11: {  	[smem:$0x3FB3] =	sst s9;
	s0 =	simm.s32 @!p0 $0x0  }
0x12: {  	s1 =	sld [smem:$0x3F99];
	s0 =	simm.s32 @p0 $0x1  }
0x13: {  	[smem:$0x3FB4] =	sst s0;
	s0 =	simm.s32 @!p1 $0x0  }
0x14: {  	s2 =	sld [smem:$0x3F98];
	s0 =	simm.s32 @p1 $0x1  }
0x15: {  	[smem:$0x3FB5] =	sst s0;
	s0 =	simm.s32 @!p2 $0x0  }
0x16: {  	s3 =	sld [smem:$0x3FDB];
	s0 =	simm.s32 @p2 $0x1  }
0x17: {  	s4 =	simm.s32 $0x1BF5;
	[smem:$0x3FB7] =	sst s0  }
0x18: {  	s0 =	sld [smem:$0x3F9A];
	_ =	swait.ge [sflag:s4], $0x0  }
0x19: {  	s7 =	sld [smem:$0x3F9B]  }
0x1a: {  	s8 =	sadd.s32 $0xFFFFE003, lr  }
0x1b: {  	s9 =	sadd.s32 $0xFFFFFEF7, lr;
	s5 =	simm.s32 $0xFFFFFFFF;
	p2 =	slt.u32 s8, $0xFFFFF086  }
0x1c: {  	p1 =	slt.u32 s9, $0xF7A;
	s5 =	simm.s32 @!p2 $0x0  }
0x1d: {  	s5 =	simm.s32 @p1 $0x1;
	p0 =	seq.s32 s7, s2  }
0x1e: {  	s7 =	smul.u32 @!p0 $0xF7A, s2;
	p2 =	seq.s32 @!p0 s5, $0x0  }
0x1f: {  	s9 =	smul.u32 $0xF7A, s1;
	s8 =	simm.s32 @!p0 $0x1BF5;
	p2 =	por !p2, p0  }
0x20: {  	[sflag:s8] =	ssyncset.s32 @!p0 $0xFFFFF086;
	s6 =	sadd.s32 @!p0 s3, s7;
	s7 =	simm.s32 @!p0 $0x108  }
0x21: {  	s3 =	sadd.s32 s3, s9;
	s6 =	sadd.s32 @!p0 $0x88, s6;
	s7 =	simm.s32 @p2 $0x1082  }
0x22: {  	[simem:s7], [sflag:s8] =	dma.local @!p0 [hbm:s6], $0xF7A  }
0x23: {  	s9 =	sor.u32 $0xD0000000, s2;
	s6 =	simm.s32 $0x108;
	_ =	swait.ge @!p0 [sflag:s8], $0x0  }
0x24: {  	s3 =	sadd.s32 $0x88, s3;
	s6 =	simm.s32 @!p1 $0x1082;
	[sflag:s4] =	ssyncset.s32 $0xFFFFF086  }
0x25: {  	[simem:s6], [sflag:s4] =	dma.local [hbm:s3], $0xF7A  }
0x26: {  	[smem:$0x3F9B] =	sst s1;
	(tag) =	ssettag s2;
	_ =	strace s9  }
0x27: {  	s1 =	sld [smem:$0x3FAB]  }
0x28: {  	s2 =	sld [smem:$0x3FAC]  }
0x29: {  	s4 =	sld [smem:$0x3FAE]  }
0x2a: {  	p0 =	seq.s32 s5, $0x0;
	s5 =	sld [smem:$0x3FAF]  }
0x2b: {  	s6 =	sld [smem:$0x3FB0]  }
0x2c: {  	s7 =	sld [smem:$0x3FB1]  }
0x2d: {  	s3 =	simm.s32 $0x108;
	s8 =	sld [smem:$0x3FB2]  }
0x2e: {  	s3 =	simm.s32 @!p0 $0x1082;
	s9 =	sld [smem:$0x3FB3]  }
0x2f: {  	lr =	sadd.s32 s0, s3;
	s0 =	sld [smem:$0x3FAA]  }
0x30: {  	s3 =	sld [smem:$0x3FAD]  }
0x31: {  	[smem:$0x3FB6] =	sst s10  }
0x32: {  	s10 =	sld [smem:$0x3FB4];
	_ =	sdelay $0x3  }
0x33: {  	p0 =	seq.s32 s10, $0x1;
	s10 =	sld [smem:$0x3FB6];
	_ =	sdelay $0x3  }
0x34: {  	[smem:$0x3FB6] =	sst s10  }
0x35: {  	s10 =	sld [smem:$0x3FB5];
	_ =	sdelay $0x3  }
0x36: {  	p1 =	seq.s32 s10, $0x1;
	s10 =	sld [smem:$0x3FB6];
	_ =	sdelay $0x3  }
0x37: {  	[smem:$0x3FB6] =	sst s10  }
0x38: {  	s10 =	sld [smem:$0x3FB7]  }
0x39: {  	_ = 	snop;
	(pc) =	sbr.ind lr, $3  }
0x3a: {  	_ = 	snop  }
0x3b: {  	_ = 	snop  }
0x3c: {  	p2 =	seq.s32 s10, $0x1;
	s10 =	sld [smem:$0x3FB6]  }
0x3d: {  	_ =	shalt  }
0x3e: {  	_ =	shalt  }
0x3f: {  	_ =	shalt  }
0x40: {  	_ =	shalt  }
0x41: {  	_ =	shalt  }
0x42: {  	_ =	shalt  }
0x43: {  	_ =	shalt  }
0x44: {  	_ =	shalt  }
0x45: {  	_ =	shalt  }
0x46: {  	_ =	shalt  }
0x47: {  	_ =	shalt  }
0x48: {  	_ =	shalt  }
0x49: {  	_ =	shalt  }
0x4a: {  	_ =	shalt  }
0x4b: {  	_ =	shalt  }
0x4c: {  	_ =	shalt  }
0x4d: {  	_ =	shalt  }
0x4e: {  	_ =	shalt  }
0x4f: {  	_ =	shalt  }
0x50: {  	_ =	shalt  }
0x51: {  	_ =	shalt  }
0x52: {  	_ =	shalt  }
0x53: {  	_ =	shalt  }
0x54: {  	_ =	shalt  }
0x55: {  	_ =	shalt  }
0x56: {  	_ =	shalt  }
0x57: {  	_ =	shalt  }
0x58: {  	_ =	shalt  }
0x59: {  	_ =	shalt  }
0x5a: {  	_ =	shalt  }
0x5b: {  	_ =	shalt  }
0x5c: {  	_ =	shalt  }
0x5d: {  	_ =	shalt  }
0x5e: {  	_ =	shalt  }
0x5f: {  	_ =	shalt  }
0x60: {  	_ =	shalt  }
0x61: {  	_ =	shalt  }
0x62: {  	_ =	shalt  }
0x63: {  	_ =	shalt  }
0x64: {  	_ =	shalt  }
0x65: {  	_ =	shalt  }
0x66: {  	_ =	shalt  }
0x67: {  	_ =	shalt  }
0x68: {  	_ =	shalt  }
0x69: {  	_ =	shalt  }
0x6a: {  	_ =	shalt  }
0x6b: {  	_ =	shalt  }
0x6c: {  	_ =	shalt  }
0x6d: {  	_ =	shalt  }
0x6e: {  	_ =	shalt  }
0x6f: {  	_ =	shalt  }
0x70: {  	_ =	shalt  }
0x71: {  	_ =	shalt  }
0x72: {  	_ =	shalt  }
0x73: {  	_ =	shalt  }
0x74: {  	_ =	shalt  }
0x75: {  	_ =	shalt  }
0x76: {  	_ =	shalt  }
0x77: {  	_ =	shalt  }
0x78: {  	_ =	shalt  }
0x79: {  	_ =	shalt  }
0x7a: {  	_ =	shalt  }
0x7b: {  	_ =	shalt  }
0x7c: {  	_ =	shalt  }
0x7d: {  	_ =	shalt  }
0x7e: {  	_ =	shalt  }
0x7f: {  	_ =	shalt  }
0x80: {  	_ =	shalt  }
0x81: {  	_ =	shalt  }
0x82: {  	_ =	shalt  }
0x83: {  	_ =	shalt  }
0x84: {  	_ =	shalt  }
0x85: {  	_ =	shalt  }
0x86: {  	_ =	shalt  }
0x87: {  	_ =	shalt  }
.Lfunc_end0:
.L_simem_size_0:
called_computation_lowered:
.L_overlay_start_0:
0x88: {  	s2 =	sld [smem:$0x3FD9]  }
0x89: {  	s3 =	sld [smem:$0x3FFE];
	_ =	sdelay $0x1  }
0x8a: {  	s1 =	srdreg.scid  }
0x8b: {  	s0 =	sand.u32 $0x1, s1  }
0x8c: {  	s16 =	sshll.u32 s0, $0xA;
	s2 =	sadd.s32 s3, s2  }
0x8d: {  	s2 =	sadd.s32 s2, s16  }
0x8e: {  	[smem:$0x3FC2] =	sst s2  }
0x8f: {  	_ = 	snop  }
0x90: {  	(tm) =	ssettm $0x1  }
0x91: {  	s17 =	sld [smem:$0x3FFB];
	_ =	sdelay $0x3  }
0x92: {  	_ =	strace s17  }
0x93: {  	s2 =	sld [smem:$0x3FFC];
	_ =	sdelay $0x3  }
0x94: {  	_ =	strace s2  }
0x95: {  	s2 =	sld [smem:$0x3FFD];
	_ =	sdelay $0x3  }
0x96: {  	_ =	strace s2  }
0x97: {  	_ =	strace $0x8FFFFFFF  }
0x98: {  	s18 =	sld [smem:$0x3FDB];
	_ =	sdelay $0x1  }
0x99: {  	s19 =	simm.s32 $_scs_section_size  }
0x9a: {  	s4 =	simm.s32 $_size__tile_overlayer_lowered;
	s5 =	simm.s32 $_tile_overlayer_lowered  }
0x9b: {  	s22 =	simm.s32 $0x1BFF;
	s21 =	sshll.u32 s5, $0x1;
	s2 =	sadd.s32 s19, s18  }
0x9c: {  	s6 =	simm.s32 $0x0;
	s20 =	sshll.u32 s4, $0x1;
	s4 =	sadd.s32 s21, s2  }
0x9d: {  	[timem:s6], [sflag:s22] =	dma.local [hbm:s4], s20  }
0x9e: {  	_ =	swait.ge [sflag:s22], s20  }
0x9f: {  	s3 =	ssub.s32 $0x0, s20;
	[sflag:s22] =	ssyncset.done $0x0  }
0xa0: {  	[sflag:s22] =	ssyncadd.s32 s3;
	_ =	sdelay $0x1  }
0xa1: {  	s23 =	simm.s32 $0x1B8B  }
0xa2: {  	_ =	swait.ge [sflag:s23], $0x1  }
0xa3: {  	[sflag:s23] =	ssyncset.done $0x0  }
0xa4: {  	s25 =	simm.s32 $0x1B8E;
	s24 =	sld [smem:$0x3FFE];
	[sflag:s23] =	ssyncadd.s32 $0xFFFFFFFF  }
0xa5: {  	s26 =	simm.s32 $execute0_lowered;
	[smem:$0x3FD2] =	sst s25  }
0xa6: {  	s4 =	sshll.u32 s26, $0x1;
	_ =	strace $0x80000046;
	[dreg:$0x1] =	wrdreg $0xFFFFFFFF  }
0xa7: {  	s28 =	simm.s32 $_size_execute0_lowered;
	s2 =	sadd.s32 s2, s4;
	[dreg:$0x0] =	wrdreg $0x0  }
0xa8: {  	s4 =	sshll.u32 s28, $0x1;
	[dreg:$0x2] =	wrdreg s2  }
0xa9: {  	[dreg:$0x3] =	wrdreg s4  }
0xaa: {  	[dreg:$0x4] =	wrdreg $0xC0  }
0xab: {  	_ =	task [dreg:s6], $0x5FFFF  }
0xac: {  	[dreg:$0x1] =	wrdreg $0xFFFFFFFF  }
0xad: {  	[dreg:$0x0] =	wrdreg $0x60  }
0xae: {  	[dreg:$0x2] =	wrdreg s24  }
0xaf: {  	[dreg:$0x3] =	wrdreg $0x0  }
0xb0: {  	[dreg:$0x4] =	wrdreg $0x9  }
0xb1: {  	_ =	task.clear_ibuf [dreg:s6], $0x5FFFF;
	_ =	strace $0x90000046  }
0xb2: {  	s29 =	simm.s32 $0x9;
	_ =	strace $0x80000048  }
0xb3: {  	_ =	swait.ge [sflag:s29], $0x1  }
0xb4: {  	[sflag:s29] =	ssyncadd.s32 $0xFFFFFFFF  }
0xb5: {  	_ =	strace $0x90000048  }
0xb6: {  	_ =	sfence  }
0xb7: {  	s30 =	sld [smem:$0x0];
	_ =	sdelay $0x2  }
0xb8: {  	s31 =	sshll.u32 s1, $0xD;
	s1 =	sshrl.u32 s1, $0x2  }
0xb9: {  	s3 =	sand.u32 $0x4000, s31;
	s1 =	sadd.s32 s1, s30  }
0xba: {  	s0 =	sor.u32 s3, s0;
	s1 =	sshll.u32 s1, $0x11  }
0xbb: {  	s0 =	sor.u32 s1, s0  }
0xbc: {  	s0 =	sadd.s32 $0x8F2B, s0  }
0xbd: {  	[sflag:s0] =	ssyncadd.remote.s32 $0x1  }
0xbe: {  	_ =	sfence.sel $0xFFFF  }
0xbf: {  	[dreg:$0x0] =	wrdreg $0xFFFFFFFF;
	(pc) =	sbr.abs _section_cstart, $3  }
0xc0: {  	[dreg:$0x1] =	wrdreg $0xFFFFFFFF  }
0xc1: {  	_ =	task.clear_ibuf [dreg:s6], $0x2FFFF;
	_ =	strace $0x9FFFFFFF  }
0xc2: {  	(tm) =	ssettm $0x7FFFFFFF  }
0xc3: {  	_ =	shalt  }
tec
execute0_lowered:
.L_overlay_start_1:
0x0: {  	(tag) =	ssettag $0x1  }
0x1: {  	s5 =	rddreg [dreg:$0x0]  }
0x2: {  	s0 =	srdreg.scid;
	s2 =	rddreg [dreg:$0x1]  }
0x3: {  	s1 =	rddreg [dreg:$0x2];
	s3 =	simm.s32 $0x0;
	s4 =	sand.u32 $0x1, s0  }
0x4: {  	s12 =	simm.s32 $0xA80;
	s0 =	stileid.u32;
	s6 =	smul.u32 $0x28000, s4  }
0x5: {  	s13 =	simm.s32 $0xA00;
	s14 =	simm.s32 $0x80;
	s7 =	smul.u32 $0x2800, s0  }
0x6: {  	s15 =	simm.s32 $0x1;
	[smem:$0x7FF] =	sst s3;
	s8 =	smul.u32 $0x1400, s0  }
0x7: {  	s16 =	simm.s32 $0x0;
	s28 =	smul.u32 $0x14000, s4;
	_ =	strace $0x80000047  }
0x8: {  	s10 =	ssub.s32 $0x2, s4;
	s4 =	sadd.s32 $0xF200, s5;
	s31 =	sshll.u32 s0, $0x6  }
0x9: {  	s30 =	sshrl.u32 s10, $0x1;
	s6 =	sadd.s32 s7, s6;
	s29 =	sshrl.u32 s8, $0x3  }
0xa: {  	s7 =	sadd.s32 s8, s28;
	s10 =	ssub.s32 s10, s30;
	s11 =	sadd.s32 s8, s2  }
0xb: {  	s6 =	sshrl.u32 s6, $0x3;
	s7 =	sshrl.u32 s7, $0x3;
	s8 =	smax.u32 s10, $0x1  }
0xc: {  	s10 =	sshrl.u32 s11, $0x3;
	s9 =	sadd.s32 s6, s5;
	s6 =	sadd.s32 s29, s5  }
0xd: {  	s11 =	simm.s32 $0x2;
	s7 =	sadd.s32 s7, s5;
	s5 =	sadd.s32 $0xCA00, s6  }
0xe: {  	s6 =	sor.u32 $0x1C02, s31;
	s7 =	sadd.s32 $0xF400, s7;
	s9 =	sadd.s32 $0x2A00, s9  }
.LBB2_1:
0xf: {  	[spmem:s10], [sflag:s6] =	dma.local [hbm:s5], $0x280  }
0x10: {  	_ =	swait.ge [sflag:s11], $0x280  }
0x11: {  	[sflag:s11] =	ssyncset.done $0x0  }
0x12: {  	[sflag:s11] =	ssyncadd.s32 $0xFFFFFD80  }
0x13: {  	[tilespmem:s12], [sflag:$0x2] =	stream.linear.gather [hbm4b:s4+s3], $0x400, $0x38;
	[tilespmem:$0xE80] =	vst v63  }
0x14: {  	_ =	swait.ge [sflag:s11], $0x400  }
0x15: {  	[sflag:s11] =	ssyncset.done $0x0  }
0x16: {  	[sflag:s11] =	ssyncadd.s32 $0xFFFFFC00  }
0x17: {  	s17 =	sadd.s32 $0x0, s9;
	[bflag:$0x0] =	sbarrier.arrive $0xFFFF  }
0x18: {  	[tilespmem:s13], [sflag:$0x2] =	stream.linear.gather [hbm4b:s17+s3], $0x80, $0x38;
	[tilespmem:$0xE80] =	vst v63  }
0x19: {  	_ =	swait.ge [sflag:s11], $0x80  }
0x1a: {  	[sflag:s11] =	ssyncset.done $0x0  }
0x1b: {  	[sflag:s11] =	ssyncadd.s32 $0xFFFFFF80  }
0x1c: {  	[spmem:s2] =	stream.indirect.scatter.add.f32 [tilespmem:s12], [sflag:$0x1], $0x4, s13, s14, $0xb8;
	[tilespmem:$0xE80] =	vst v63  }
0x1d: {  	_ =	swait.ge [sflag:s15], $0x200  }
0x1e: {  	s18 =	simm.s32 $0x20;
	s17 =	simm.s32 $0x10;
	[sflag:s15] =	ssyncset.done $0x0  }
.LBB2_2:
0x1f: {  	s19 =	sadd.s32 s17, s9  }
0x20: {  	[sflag:s15] =	ssyncadd.s32 $0xFFFFFE00;
	s17 =	smov.u32 s18;
	s20 =	sadd.s32 $0x10, s18  }
0x21: {  	[tilespmem:s13], [sflag:$0x2] =	stream.linear.gather [hbm4b:s19+s3], $0x80, $0x38;
	[tilespmem:$0xE80] =	vst v63  }
0x22: {  	p0 =	sne.s32 s18, $0x4F0;
	_ =	swait.ge [sflag:s11], $0x80  }
.Ltmp0:
0x23: {  	[sflag:s11] =	ssyncset.done $0x0;
	(pc) =	sbr.rel @p0 .LBB2_2-.Ltmp0, $4  }
0x24: {  	[sflag:s11] =	ssyncadd.s32 $0xFFFFFF80  }
0x25: {  	[spmem:s2] =	stream.indirect.scatter.add.f32 [tilespmem:s12], [sflag:$0x1], $0x4, s13, s14, $0xb8;
	[tilespmem:$0xE80] =	vst v63  }
0x26: {  	_ =	swait.ge [sflag:s15], $0x200  }
0x27: {  	s18 =	smov.u32 s20;
	[sflag:s15] =	ssyncset.done $0x0  }
0x28: {  	s17 =	sadd.s32 s17, s9;
	[sflag:s15] =	ssyncadd.s32 $0xFFFFFE00  }
0x29: {  	[tilespmem:s13], [sflag:$0x2] =	stream.linear.gather [hbm4b:s17+s3], $0x80, $0x38;
	[tilespmem:$0xE80] =	vst v63  }
0x2a: {  	_ =	swait.ge [sflag:s11], $0x80  }
0x2b: {  	[sflag:s11] =	ssyncset.done $0x0  }
0x2c: {  	[sflag:s11] =	ssyncadd.s32 $0xFFFFFF80  }
0x2d: {  	[spmem:s2] =	stream.indirect.scatter.add.f32 [tilespmem:s12], [sflag:$0x1], $0x4, s13, s14, $0xb8;
	[tilespmem:$0xE80] =	vst v63  }
0x2e: {  	_ =	swait.ge [sflag:s15], $0x200  }
0x2f: {  	s16 =	sadd.s32 $0x1, s16;
	[sflag:s15] =	ssyncset.done $0x0  }
0x30: {  	p0 =	sne.s32 s16, s8;
	[sflag:s15] =	ssyncadd.s32 $0xFFFFFE00  }
.Ltmp1:
0x31: {  	[bflag:$0x0] =	sbarrier.arrive $0xFFFF;
	(pc) =	sbr.rel @p0 .LBB2_1-.Ltmp1, $4  }
0x32: {  	[hbm:s7], [sflag:s6] =	dma.local [spmem:s10], $0x280  }
0x33: {  	_ =	swait.ge [sflag:s11], $0x280  }
0x34: {  	[sflag:s11] =	ssyncset.done $0x0  }
0x35: {  	[sflag:s11] =	ssyncadd.s32 $0xFFFFFD80  }
0x36: {  	_ =	sfence.sel $0x180000  }
0x37: {  	[bflag:$0x0] =	sbarrier.arrive $0xFFFF  }
0x38: {  	p0 =	sne.s32 s0, $0x0;
	_ =	strace $0x90000047  }
0x39: {  	s0 =	sadd.s32 @!p0 $0x100000, s1;
	[bflag:$0x2] =	sbarrier.arrive $0xFFFF  }
0x3a: {  	[sflag:s0] =	ssyncadd.tile.s32 @!p0 $0x1;
	_ =	shalt  }
.Lfunc_end2:
_tile_overlayer_lowered:
.L_overlay_start_2:
0x3b: {  	(tag) =	ssettag $0x2  }
0x3c: {  	s0 =	rddreg [dreg:$0x0];
	s2 =	stileid.u32  }
0x3d: {  	s1 =	rddreg [dreg:$0x1];
	p0 =	sne.s32 s2, $0x0  }
0x3e: {  	s3 =	rddreg [dreg:$0x2];
	[bflag:$0x3] =	sbarrier.arrive $0xFFFF;
	s2 =	simm.s32 @!p0 $0x1C02  }
0x3f: {  	[timem:s3], [sflag:s2] =	dma.local @!p0 [hbm:s0], s1  }
0x40: {  	s0 =	simm.s32 @!p0 $0x2  }
0x41: {  	_ =	swait.ge @!p0 [sflag:s0], s1  }
0x42: {  	s1 =	ssub.s32 @!p0 $0x0, s1;
	[sflag:s0] =	ssyncset.done @!p0 $0x0  }
0x43: {  	[sflag:s0] =	ssyncadd.s32 @!p0 s1  }
0x44: {  	[bflag:$0x3] =	sbarrier.arrive $0xFFFF  }
0x45: {  	_ =	shalt  }

</sc_bundles>
